<compile_context>
chip_gen: v7x
topology: tpu7x:2x2x1
jax: 0.10.2.dev20260603
libtpu: 0.0.44.dev20260713+nightly
codegen_flags: <defaults>
</compile_context>

<pallas_src>
import functools
import math

import jax
import jax.numpy as jnp
from jax import lax
from jax.experimental import pallas as pl
from jax.experimental.pallas import tpu as pltpu
from jax.experimental.pallas import tpu_sc as plsc

D_MODEL = 64
SCALE = math.sqrt(D_MODEL)

NC = 2
NS = 16
NW = NC * NS
LANES = 16

K = 128
G = 5
C = G * K


def _emb_body(ngather, idx_hbm, table_hbm, out_hbm,
              idx_v, rows0, rows1, g0, g1, s0, s1):
    nstage = ngather // G
    wid = lax.axis_index("s") * NC + lax.axis_index("c")
    base = wid * (nstage * C)
    rows_b = (rows0, rows1)
    gsem = (g0, g1)
    ssem = (s0, s1)

    pltpu.sync_copy(idx_hbm.at[wid], idx_v)

    def issue_gathers(si, b):
        for j in range(G):
            pltpu.async_copy(table_hbm.at[idx_v.at[si * G + j]],
                             rows_b[b].at[pl.ds(j * K, K)], gsem[b])

    def wait_gathers(si, b):
        for j in range(G):
            pltpu.make_async_copy(table_hbm.at[idx_v.at[si * G + j]],
                                  rows_b[b].at[pl.ds(j * K, K)],
                                  gsem[b]).wait()

    def wait_store(b):
        pltpu.make_async_copy(rows_b[b], out_hbm.at[pl.ds(base, C)],
                              ssem[b]).wait()

    issue_gathers(0, 0)

    @pl.loop(0, nstage, step=2)
    def _(i):
        for b in range(2):
            ci = i + b
            nb = 1 - b

            @pl.when(ci + 1 < nstage)
            def _():
                @pl.when(ci >= 1)
                def _():
                    wait_store(nb)
                issue_gathers(ci + 1, nb)

            wait_gathers(ci, b)

            @pl.loop(0, C)
            def _(r):
                for c4 in range(D_MODEL // LANES):
                    sl = pl.ds(c4 * LANES, LANES)
                    rows_b[b][r, sl] = rows_b[b][r, sl] * SCALE

            pltpu.async_copy(rows_b[b], out_hbm.at[pl.ds(base + ci * C, C)],
                             ssem[b])

    wait_store(0)
    wait_store(1)


@jax.jit
def _emb(xf, table):
    n = xf.shape[0] * xf.shape[1] * xf.shape[2]
    ngather = xf.shape[1]
    mesh = plsc.VectorSubcoreMesh(core_axis_name="c", subcore_axis_name="s")
    body = functools.partial(_emb_body, ngather)
    return pl.kernel(
        body,
        out_type=jax.ShapeDtypeStruct((n, D_MODEL), jnp.float32),
        mesh=mesh,
        compiler_params=pltpu.CompilerParams(use_tc_tiling_on_sc=False),
        scratch_types=[
            pltpu.VMEM((ngather, K), jnp.int32),
            pltpu.VMEM((C, D_MODEL), jnp.float32),
            pltpu.VMEM((C, D_MODEL), jnp.float32),
            pltpu.SemaphoreType.DMA,
            pltpu.SemaphoreType.DMA,
            pltpu.SemaphoreType.DMA,
            pltpu.SemaphoreType.DMA,
        ],
    )(xf, table)


def kernel(x, table):
    b, s = x.shape
    n = b * s
    assert n % (NW * C) == 0, (n, NW, C)
    ngather = n // (NW * K)
    xf = x.reshape(NW, ngather, K).astype(jnp.int32)
    out = _emb(xf, table)
    return out.reshape(b, s, D_MODEL)

# --- scband reference (transcript-rebuilt; emitter-appended) ---
"""Pipeline reference for scband-input-embeddings-35802847380024 (READ-ONLY COPY).

The authoritative reference and input builder live on the scoring server;
editing this copy changes nothing except your own understanding.
"""

import jax, jax.numpy as jnp
import numpy as np
import math

VOCAB = 1000000
D_MODEL = 64

def setup_inputs(seed: int = 0) -> dict:
    key = jax.random.key(seed)
    k1, k2 = jax.random.split(key)
    x = jax.random.randint(k1, (4096, 200), 0, VOCAB, dtype=jnp.int64 if jax.config.jax_enable_x64 else jnp.int32)
    table = jax.random.normal(k2, (VOCAB, D_MODEL), dtype=jnp.float32)
    return {"x": x, "table": table}

def reference(x, table):
    # nn.Embedding lookup followed by sqrt(d_model) scaling
    emb = jnp.take(table, x, axis=0)
    return emb * math.sqrt(D_MODEL)

if __name__ == "__main__":
    import jax
    _d = setup_inputs()
    print(jax.jit(kernel)(*tuple(_d.values())))

</pallas_src>

<mosaic_0001>
#map = affine_map<(d0, d1) -> (0, 0, 0)>
#map1 = affine_map<(d0, d1) -> (0, 0)>
module attributes {stable_mosaic.version = 14 : i64} {
  func.func @_emb_body(%arg0: i32, %arg1: i32, %arg2: memref<32x200x128xi32, #tpu.memory_space<hbm>>, %arg3: memref<1000000x64xf32, #tpu.memory_space<hbm>>, %arg4: memref<819200x64xf32, #tpu.memory_space<hbm>>, %arg5: memref<200x128xi32, #tpu.memory_space<vmem>>, %arg6: memref<640x64xf32, #tpu.memory_space<vmem>>, %arg7: memref<640x64xf32, #tpu.memory_space<vmem>>, %arg8: memref<!tpu.dma_semaphore, #tpu.memory_space<semaphore_mem>>, %arg9: memref<!tpu.dma_semaphore, #tpu.memory_space<semaphore_mem>>, %arg10: memref<!tpu.dma_semaphore, #tpu.memory_space<semaphore_mem>>, %arg11: memref<!tpu.dma_semaphore, #tpu.memory_space<semaphore_mem>>) attributes {dimension_semantics = [#tpu.dimension_semantics<core_parallel>, #tpu.dimension_semantics<subcore_parallel>], iteration_bounds = array<i64: 2, 16>, scalar_prefetch = 0 : i64, scratch_operands = 7 : i64, tpu.core_type = #tpu.core_type<sc_vector_subcore>, window_params = [{transform_indices = #map}, {transform_indices = #map1}, {transform_indices = #map1}]} {
    %mul3A = arith.constant 2 : i32
    %mul3A_0 = arith.muli %arg1, %mul3A : i32
    %add3A = arith.addi %mul3A_0, %arg0 : i32
    %mul3A_1 = arith.constant 25600 : i32
    %mul3A_2 = arith.muli %add3A, %mul3A_1 : i32
    "tpu.region"() ({
      %run_scoped3A = tpu.sem_alloc : memref<!tpu.dma_semaphore, #tpu.memory_space<semaphore_mem>>
      %dma_start3A_63 = arith.constant 0 : i32
      %dma_start3A_64 = arith.constant 0 : i32
      %dma_start3A_65 = tpu.memref_slice %arg2[%add3A, %dma_start3A_63, %dma_start3A_64] : memref<32x200x128xi32, #tpu.memory_space<hbm>> -> memref<1x200x128xi32, #tpu.memory_space<hbm>>
      %dma_start3A_66 = tpu.memref_squeeze %dma_start3A_65 : memref<1x200x128xi32, #tpu.memory_space<hbm>> -> memref<200x128xi32, #tpu.memory_space<hbm>>
      %dma_start3A_67 = arith.constant 0 : i32
      %dma_start3A_68 = arith.constant 0 : i32
      %dma_start3A_69 = tpu.memref_slice %arg2[%add3A, %dma_start3A_67, %dma_start3A_68] : memref<32x200x128xi32, #tpu.memory_space<hbm>> -> memref<1x200x128xi32, #tpu.memory_space<hbm>>
      %dma_start3A_70 = tpu.memref_squeeze %dma_start3A_69 : memref<1x200x128xi32, #tpu.memory_space<hbm>> -> memref<200x128xi32, #tpu.memory_space<hbm>>
      tpu.enqueue_dma source(%dma_start3A_70 : memref<200x128xi32, #tpu.memory_space<hbm>>) target(%arg5 : memref<200x128xi32, #tpu.memory_space<vmem>>) target_semaphore(%run_scoped3A : memref<!tpu.dma_semaphore, #tpu.memory_space<semaphore_mem>>)
      %dma_wait3A_71 = arith.constant 0 : i32
      %dma_wait3A_72 = arith.constant 0 : i32
      %dma_wait3A_73 = tpu.memref_slice %arg2[%add3A, %dma_wait3A_71, %dma_wait3A_72] : memref<32x200x128xi32, #tpu.memory_space<hbm>> -> memref<1x200x128xi32, #tpu.memory_space<hbm>>
      %dma_wait3A_74 = tpu.memref_squeeze %dma_wait3A_73 : memref<1x200x128xi32, #tpu.memory_space<hbm>> -> memref<200x128xi32, #tpu.memory_space<hbm>>
      %dma_wait3A_75 = arith.constant 0 : i32
      %dma_wait3A_76 = arith.constant 0 : i32
      %dma_wait3A_77 = tpu.memref_slice %arg2[%add3A, %dma_wait3A_75, %dma_wait3A_76] : memref<32x200x128xi32, #tpu.memory_space<hbm>> -> memref<1x200x128xi32, #tpu.memory_space<hbm>>
      %dma_wait3A_78 = tpu.memref_squeeze %dma_wait3A_77 : memref<1x200x128xi32, #tpu.memory_space<hbm>> -> memref<200x128xi32, #tpu.memory_space<hbm>>
      tpu.wait_dma2 semaphore(%run_scoped3A : memref<!tpu.dma_semaphore, #tpu.memory_space<semaphore_mem>>) src(%dma_wait3A_78 : memref<200x128xi32, #tpu.memory_space<hbm>>) dst(%arg5 : memref<200x128xi32, #tpu.memory_space<vmem>>)
      tpu.yield
    }) : () -> ()
    %dma_start3A = arith.constant 0 : i32
    %dma_start3A_3 = arith.constant 0 : i32
    %dma_start3A_4 = arith.constant 0 : i32
    %dma_start3A_5 = tpu.memref_slice %arg6[%dma_start3A_3, %dma_start3A_4] : memref<640x64xf32, #tpu.memory_space<vmem>> -> memref<128x64xf32, #tpu.memory_space<vmem>>
    %dma_start3A_6 = arith.constant 0 : i32
    %dma_start3A_7 = tpu.memref_slice %arg5[%dma_start3A, %dma_start3A_6] : memref<200x128xi32, #tpu.memory_space<vmem>> -> memref<1x128xi32, #tpu.memory_space<vmem>>
    %dma_start3A_8 = tpu.memref_squeeze %dma_start3A_7 : memref<1x128xi32, #tpu.memory_space<vmem>> -> memref<128xi32, #tpu.memory_space<vmem>>
    %dma_start3A_9 = arith.constant 0 : i32
    %dma_start3A_10 = arith.constant 0 : i32
    %dma_start3A_11 = tpu.memref_slice %arg3[%dma_start3A_9, %dma_start3A_10] : memref<1000000x64xf32, #tpu.memory_space<hbm>> -> memref<1000000x64xf32, #tpu.memory_space<hbm>>
    tpu.enqueue_indirect_dma source(%dma_start3A_11 : memref<1000000x64xf32, #tpu.memory_space<hbm>>) target(%dma_start3A_5 : memref<128x64xf32, #tpu.memory_space<vmem>>) offsets(%dma_start3A_8 : memref<128xi32, #tpu.memory_space<vmem>>) semaphore(%arg8 : memref<!tpu.dma_semaphore, #tpu.memory_space<semaphore_mem>>)
    %dma_start3A_12 = arith.constant 1 : i32
    %dma_start3A_13 = arith.constant 128 : i32
    %dma_start3A_14 = arith.constant 0 : i32
    %dma_start3A_15 = tpu.memref_slice %arg6[%dma_start3A_13, %dma_start3A_14] : memref<640x64xf32, #tpu.memory_space<vmem>> -> memref<128x64xf32, #tpu.memory_space<vmem>>
    %dma_start3A_16 = arith.constant 0 : i32
    %dma_start3A_17 = tpu.memref_slice %arg5[%dma_start3A_12, %dma_start3A_16] : memref<200x128xi32, #tpu.memory_space<vmem>> -> memref<1x128xi32, #tpu.memory_space<vmem>>
    %dma_start3A_18 = tpu.memref_squeeze %dma_start3A_17 : memref<1x128xi32, #tpu.memory_space<vmem>> -> memref<128xi32, #tpu.memory_space<vmem>>
    %dma_start3A_19 = arith.constant 0 : i32
    %dma_start3A_20 = arith.constant 0 : i32
    %dma_start3A_21 = tpu.memref_slice %arg3[%dma_start3A_19, %dma_start3A_20] : memref<1000000x64xf32, #tpu.memory_space<hbm>> -> memref<1000000x64xf32, #tpu.memory_space<hbm>>
    tpu.enqueue_indirect_dma source(%dma_start3A_21 : memref<1000000x64xf32, #tpu.memory_space<hbm>>) target(%dma_start3A_15 : memref<128x64xf32, #tpu.memory_space<vmem>>) offsets(%dma_start3A_18 : memref<128xi32, #tpu.memory_space<vmem>>) semaphore(%arg8 : memref<!tpu.dma_semaphore, #tpu.memory_space<semaphore_mem>>)
    %dma_start3A_22 = arith.constant 2 : i32
    %dma_start3A_23 = arith.constant 256 : i32
    %dma_start3A_24 = arith.constant 0 : i32
    %dma_start3A_25 = tpu.memref_slice %arg6[%dma_start3A_23, %dma_start3A_24] : memref<640x64xf32, #tpu.memory_space<vmem>> -> memref<128x64xf32, #tpu.memory_space<vmem>>
    %dma_start3A_26 = arith.constant 0 : i32
    %dma_start3A_27 = tpu.memref_slice %arg5[%dma_start3A_22, %dma_start3A_26] : memref<200x128xi32, #tpu.memory_space<vmem>> -> memref<1x128xi32, #tpu.memory_space<vmem>>
    %dma_start3A_28 = tpu.memref_squeeze %dma_start3A_27 : memref<1x128xi32, #tpu.memory_space<vmem>> -> memref<128xi32, #tpu.memory_space<vmem>>
    %dma_start3A_29 = arith.constant 0 : i32
    %dma_start3A_30 = arith.constant 0 : i32
    %dma_start3A_31 = tpu.memref_slice %arg3[%dma_start3A_29, %dma_start3A_30] : memref<1000000x64xf32, #tpu.memory_space<hbm>> -> memref<1000000x64xf32, #tpu.memory_space<hbm>>
    tpu.enqueue_indirect_dma source(%dma_start3A_31 : memref<1000000x64xf32, #tpu.memory_space<hbm>>) target(%dma_start3A_25 : memref<128x64xf32, #tpu.memory_space<vmem>>) offsets(%dma_start3A_28 : memref<128xi32, #tpu.memory_space<vmem>>) semaphore(%arg8 : memref<!tpu.dma_semaphore, #tpu.memory_space<semaphore_mem>>)
    %dma_start3A_32 = arith.constant 3 : i32
    %dma_start3A_33 = arith.constant 384 : i32
    %dma_start3A_34 = arith.constant 0 : i32
    %dma_start3A_35 = tpu.memref_slice %arg6[%dma_start3A_33, %dma_start3A_34] : memref<640x64xf32, #tpu.memory_space<vmem>> -> memref<128x64xf32, #tpu.memory_space<vmem>>
    %dma_start3A_36 = arith.constant 0 : i32
    %dma_start3A_37 = tpu.memref_slice %arg5[%dma_start3A_32, %dma_start3A_36] : memref<200x128xi32, #tpu.memory_space<vmem>> -> memref<1x128xi32, #tpu.memory_space<vmem>>
    %dma_start3A_38 = tpu.memref_squeeze %dma_start3A_37 : memref<1x128xi32, #tpu.memory_space<vmem>> -> memref<128xi32, #tpu.memory_space<vmem>>
    %dma_start3A_39 = arith.constant 0 : i32
    %dma_start3A_40 = arith.constant 0 : i32
    %dma_start3A_41 = tpu.memref_slice %arg3[%dma_start3A_39, %dma_start3A_40] : memref<1000000x64xf32, #tpu.memory_space<hbm>> -> memref<1000000x64xf32, #tpu.memory_space<hbm>>
    tpu.enqueue_indirect_dma source(%dma_start3A_41 : memref<1000000x64xf32, #tpu.memory_space<hbm>>) target(%dma_start3A_35 : memref<128x64xf32, #tpu.memory_space<vmem>>) offsets(%dma_start3A_38 : memref<128xi32, #tpu.memory_space<vmem>>) semaphore(%arg8 : memref<!tpu.dma_semaphore, #tpu.memory_space<semaphore_mem>>)
    %dma_start3A_42 = arith.constant 4 : i32
    %dma_start3A_43 = arith.constant 512 : i32
    %dma_start3A_44 = arith.constant 0 : i32
    %dma_start3A_45 = tpu.memref_slice %arg6[%dma_start3A_43, %dma_start3A_44] : memref<640x64xf32, #tpu.memory_space<vmem>> -> memref<128x64xf32, #tpu.memory_space<vmem>>
    %dma_start3A_46 = arith.constant 0 : i32
    %dma_start3A_47 = tpu.memref_slice %arg5[%dma_start3A_42, %dma_start3A_46] : memref<200x128xi32, #tpu.memory_space<vmem>> -> memref<1x128xi32, #tpu.memory_space<vmem>>
    %dma_start3A_48 = tpu.memref_squeeze %dma_start3A_47 : memref<1x128xi32, #tpu.memory_space<vmem>> -> memref<128xi32, #tpu.memory_space<vmem>>
    %dma_start3A_49 = arith.constant 0 : i32
    %dma_start3A_50 = arith.constant 0 : i32
    %dma_start3A_51 = tpu.memref_slice %arg3[%dma_start3A_49, %dma_start3A_50] : memref<1000000x64xf32, #tpu.memory_space<hbm>> -> memref<1000000x64xf32, #tpu.memory_space<hbm>>
    tpu.enqueue_indirect_dma source(%dma_start3A_51 : memref<1000000x64xf32, #tpu.memory_space<hbm>>) target(%dma_start3A_45 : memref<128x64xf32, #tpu.memory_space<vmem>>) offsets(%dma_start3A_48 : memref<128xi32, #tpu.memory_space<vmem>>) semaphore(%arg8 : memref<!tpu.dma_semaphore, #tpu.memory_space<semaphore_mem>>)
    %scan3A = arith.constant 0 : i32
    %scan3A_52 = arith.constant 20 : i32
    %scan3A_53 = arith.addi %scan3A, %scan3A_52 : i32
    %scan3A_54 = arith.constant 1 : i32
    scf.for %scan3A_63 = %scan3A to %scan3A_53 step %scan3A_54  : i32 {
      %mul3A_64 = arith.constant 2 : i32
      %mul3A_65 = arith.muli %scan3A_63, %mul3A_64 : i32
      %add3A_66 = arith.constant 0 : i32
      %add3A_67 = arith.addi %add3A_66, %mul3A_65 : i32
      %add3A_68 = arith.constant 0 : i32
      %add3A_69 = arith.addi %add3A_67, %add3A_68 : i32
      %add3A_70 = arith.constant 1 : i32
      %add3A_71 = arith.addi %add3A_69, %add3A_70 : i32
      %lt3A = arith.constant 40 : i32
      %lt3A_72 = arith.cmpi slt, %add3A_71, %lt3A : i32
      %convert_element_type3A = arith.extui %lt3A_72 : i1 to i32
      %cond3A = arith.constant 0 : i32
      %cond3A_73 = arith.cmpi ne, %convert_element_type3A, %cond3A : i32
      scf.if %cond3A_73 {
        %ge3A = arith.constant 1 : i32
        %ge3A_237 = arith.cmpi sge, %add3A_69, %ge3A : i32
        %convert_element_type3A_238 = arith.extui %ge3A_237 : i1 to i32
        %cond3A_239 = arith.constant 0 : i32
        %cond3A_240 = arith.cmpi ne, %convert_element_type3A_238, %cond3A_239 : i32
        scf.if %cond3A_240 {
          %dma_wait3A_308 = arith.constant 0 : i32
          %dma_wait3A_309 = tpu.memref_slice %arg4[%mul3A_2, %dma_wait3A_308] : memref<819200x64xf32, #tpu.memory_space<hbm>> -> memref<640x64xf32, #tpu.memory_space<hbm>>
          %dma_wait3A_310 = arith.constant 0 : i32
          %dma_wait3A_311 = tpu.memref_slice %arg4[%mul3A_2, %dma_wait3A_310] : memref<819200x64xf32, #tpu.memory_space<hbm>> -> memref<640x64xf32, #tpu.memory_space<hbm>>
          tpu.wait_dma2 semaphore(%arg11 : memref<!tpu.dma_semaphore, #tpu.memory_space<semaphore_mem>>) src(%arg7 : memref<640x64xf32, #tpu.memory_space<vmem>>) dst(%dma_wait3A_311 : memref<640x64xf32, #tpu.memory_space<hbm>>)
        } else {
        }
        %add3A_241 = arith.constant 1 : i32
        %add3A_242 = arith.addi %add3A_69, %add3A_241 : i32
        %mul3A_243 = arith.constant 5 : i32
        %mul3A_244 = arith.muli %add3A_242, %mul3A_243 : i32
        %add3A_245 = arith.constant 0 : i32
        %add3A_246 = arith.addi %mul3A_244, %add3A_245 : i32
        %dma_start3A_247 = arith.constant 0 : i32
        %dma_start3A_248 = arith.constant 0 : i32
        %dma_start3A_249 = tpu.memref_slice %arg7[%dma_start3A_247, %dma_start3A_248] : memref<640x64xf32, #tpu.memory_space<vmem>> -> memref<128x64xf32, #tpu.memory_space<vmem>>
        %dma_start3A_250 = arith.constant 0 : i32
        %dma_start3A_251 = tpu.memref_slice %arg5[%add3A_246, %dma_start3A_250] : memref<200x128xi32, #tpu.memory_space<vmem>> -> memref<1x128xi32, #tpu.memory_space<vmem>>
        %dma_start3A_252 = tpu.memref_squeeze %dma_start3A_251 : memref<1x128xi32, #tpu.memory_space<vmem>> -> memref<128xi32, #tpu.memory_space<vmem>>
        %dma_start3A_253 = arith.constant 0 : i32
        %dma_start3A_254 = arith.constant 0 : i32
        %dma_start3A_255 = tpu.memref_slice %arg3[%dma_start3A_253, %dma_start3A_254] : memref<1000000x64xf32, #tpu.memory_space<hbm>> -> memref<1000000x64xf32, #tpu.memory_space<hbm>>
        tpu.enqueue_indirect_dma source(%dma_start3A_255 : memref<1000000x64xf32, #tpu.memory_space<hbm>>) target(%dma_start3A_249 : memref<128x64xf32, #tpu.memory_space<vmem>>) offsets(%dma_start3A_252 : memref<128xi32, #tpu.memory_space<vmem>>) semaphore(%arg9 : memref<!tpu.dma_semaphore, #tpu.memory_space<semaphore_mem>>)
        %mul3A_256 = arith.constant 5 : i32
        %mul3A_257 = arith.muli %add3A_242, %mul3A_256 : i32
        %add3A_258 = arith.constant 1 : i32
        %add3A_259 = arith.addi %mul3A_257, %add3A_258 : i32
        %dma_start3A_260 = arith.constant 128 : i32
        %dma_start3A_261 = arith.constant 0 : i32
        %dma_start3A_262 = tpu.memref_slice %arg7[%dma_start3A_260, %dma_start3A_261] : memref<640x64xf32, #tpu.memory_space<vmem>> -> memref<128x64xf32, #tpu.memory_space<vmem>>
        %dma_start3A_263 = arith.constant 0 : i32
        %dma_start3A_264 = tpu.memref_slice %arg5[%add3A_259, %dma_start3A_263] : memref<200x128xi32, #tpu.memory_space<vmem>> -> memref<1x128xi32, #tpu.memory_space<vmem>>
        %dma_start3A_265 = tpu.memref_squeeze %dma_start3A_264 : memref<1x128xi32, #tpu.memory_space<vmem>> -> memref<128xi32, #tpu.memory_space<vmem>>
        %dma_start3A_266 = arith.constant 0 : i32
        %dma_start3A_267 = arith.constant 0 : i32
        %dma_start3A_268 = tpu.memref_slice %arg3[%dma_start3A_266, %dma_start3A_267] : memref<1000000x64xf32, #tpu.memory_space<hbm>> -> memref<1000000x64xf32, #tpu.memory_space<hbm>>
        tpu.enqueue_indirect_dma source(%dma_start3A_268 : memref<1000000x64xf32, #tpu.memory_space<hbm>>) target(%dma_start3A_262 : memref<128x64xf32, #tpu.memory_space<vmem>>) offsets(%dma_start3A_265 : memref<128xi32, #tpu.memory_space<vmem>>) semaphore(%arg9 : memref<!tpu.dma_semaphore, #tpu.memory_space<semaphore_mem>>)
        %mul3A_269 = arith.constant 5 : i32
        %mul3A_270 = arith.muli %add3A_242, %mul3A_269 : i32
        %add3A_271 = arith.constant 2 : i32
        %add3A_272 = arith.addi %mul3A_270, %add3A_271 : i32
        %dma_start3A_273 = arith.constant 256 : i32
        %dma_start3A_274 = arith.constant 0 : i32
        %dma_start3A_275 = tpu.memref_slice %arg7[%dma_start3A_273, %dma_start3A_274] : memref<640x64xf32, #tpu.memory_space<vmem>> -> memref<128x64xf32, #tpu.memory_space<vmem>>
        %dma_start3A_276 = arith.constant 0 : i32
        %dma_start3A_277 = tpu.memref_slice %arg5[%add3A_272, %dma_start3A_276] : memref<200x128xi32, #tpu.memory_space<vmem>> -> memref<1x128xi32, #tpu.memory_space<vmem>>
        %dma_start3A_278 = tpu.memref_squeeze %dma_start3A_277 : memref<1x128xi32, #tpu.memory_space<vmem>> -> memref<128xi32, #tpu.memory_space<vmem>>
        %dma_start3A_279 = arith.constant 0 : i32
        %dma_start3A_280 = arith.constant 0 : i32
        %dma_start3A_281 = tpu.memref_slice %arg3[%dma_start3A_279, %dma_start3A_280] : memref<1000000x64xf32, #tpu.memory_space<hbm>> -> memref<1000000x64xf32, #tpu.memory_space<hbm>>
        tpu.enqueue_indirect_dma source(%dma_start3A_281 : memref<1000000x64xf32, #tpu.memory_space<hbm>>) target(%dma_start3A_275 : memref<128x64xf32, #tpu.memory_space<vmem>>) offsets(%dma_start3A_278 : memref<128xi32, #tpu.memory_space<vmem>>) semaphore(%arg9 : memref<!tpu.dma_semaphore, #tpu.memory_space<semaphore_mem>>)
        %mul3A_282 = arith.constant 5 : i32
        %mul3A_283 = arith.muli %add3A_242, %mul3A_282 : i32
        %add3A_284 = arith.constant 3 : i32
        %add3A_285 = arith.addi %mul3A_283, %add3A_284 : i32
        %dma_start3A_286 = arith.constant 384 : i32
        %dma_start3A_287 = arith.constant 0 : i32
        %dma_start3A_288 = tpu.memref_slice %arg7[%dma_start3A_286, %dma_start3A_287] : memref<640x64xf32, #tpu.memory_space<vmem>> -> memref<128x64xf32, #tpu.memory_space<vmem>>
        %dma_start3A_289 = arith.constant 0 : i32
        %dma_start3A_290 = tpu.memref_slice %arg5[%add3A_285, %dma_start3A_289] : memref<200x128xi32, #tpu.memory_space<vmem>> -> memref<1x128xi32, #tpu.memory_space<vmem>>
        %dma_start3A_291 = tpu.memref_squeeze %dma_start3A_290 : memref<1x128xi32, #tpu.memory_space<vmem>> -> memref<128xi32, #tpu.memory_space<vmem>>
        %dma_start3A_292 = arith.constant 0 : i32
        %dma_start3A_293 = arith.constant 0 : i32
        %dma_start3A_294 = tpu.memref_slice %arg3[%dma_start3A_292, %dma_start3A_293] : memref<1000000x64xf32, #tpu.memory_space<hbm>> -> memref<1000000x64xf32, #tpu.memory_space<hbm>>
        tpu.enqueue_indirect_dma source(%dma_start3A_294 : memref<1000000x64xf32, #tpu.memory_space<hbm>>) target(%dma_start3A_288 : memref<128x64xf32, #tpu.memory_space<vmem>>) offsets(%dma_start3A_291 : memref<128xi32, #tpu.memory_space<vmem>>) semaphore(%arg9 : memref<!tpu.dma_semaphore, #tpu.memory_space<semaphore_mem>>)
        %mul3A_295 = arith.constant 5 : i32
        %mul3A_296 = arith.muli %add3A_242, %mul3A_295 : i32
        %add3A_297 = arith.constant 4 : i32
        %add3A_298 = arith.addi %mul3A_296, %add3A_297 : i32
        %dma_start3A_299 = arith.constant 512 : i32
        %dma_start3A_300 = arith.constant 0 : i32
        %dma_start3A_301 = tpu.memref_slice %arg7[%dma_start3A_299, %dma_start3A_300] : memref<640x64xf32, #tpu.memory_space<vmem>> -> memref<128x64xf32, #tpu.memory_space<vmem>>
        %dma_start3A_302 = arith.constant 0 : i32
        %dma_start3A_303 = tpu.memref_slice %arg5[%add3A_298, %dma_start3A_302] : memref<200x128xi32, #tpu.memory_space<vmem>> -> memref<1x128xi32, #tpu.memory_space<vmem>>
        %dma_start3A_304 = tpu.memref_squeeze %dma_start3A_303 : memref<1x128xi32, #tpu.memory_space<vmem>> -> memref<128xi32, #tpu.memory_space<vmem>>
        %dma_start3A_305 = arith.constant 0 : i32
        %dma_start3A_306 = arith.constant 0 : i32
        %dma_start3A_307 = tpu.memref_slice %arg3[%dma_start3A_305, %dma_start3A_306] : memref<1000000x64xf32, #tpu.memory_space<hbm>> -> memref<1000000x64xf32, #tpu.memory_space<hbm>>
        tpu.enqueue_indirect_dma source(%dma_start3A_307 : memref<1000000x64xf32, #tpu.memory_space<hbm>>) target(%dma_start3A_301 : memref<128x64xf32, #tpu.memory_space<vmem>>) offsets(%dma_start3A_304 : memref<128xi32, #tpu.memory_space<vmem>>) semaphore(%arg9 : memref<!tpu.dma_semaphore, #tpu.memory_space<semaphore_mem>>)
      } else {
      }
      %mul3A_74 = arith.constant 5 : i32
      %mul3A_75 = arith.muli %add3A_69, %mul3A_74 : i32
      %add3A_76 = arith.constant 0 : i32
      %add3A_77 = arith.addi %mul3A_75, %add3A_76 : i32
      %dma_wait3A_78 = arith.constant 0 : i32
      %dma_wait3A_79 = arith.constant 0 : i32
      %dma_wait3A_80 = tpu.memref_slice %arg6[%dma_wait3A_78, %dma_wait3A_79] : memref<640x64xf32, #tpu.memory_space<vmem>> -> memref<128x64xf32, #tpu.memory_space<vmem>>
      %dma_wait3A_81 = arith.constant 0 : i32
      %dma_wait3A_82 = tpu.memref_slice %arg5[%add3A_77, %dma_wait3A_81] : memref<200x128xi32, #tpu.memory_space<vmem>> -> memref<1x128xi32, #tpu.memory_space<vmem>>
      %dma_wait3A_83 = tpu.memref_squeeze %dma_wait3A_82 : memref<1x128xi32, #tpu.memory_space<vmem>> -> memref<128xi32, #tpu.memory_space<vmem>>
      %dma_wait3A_84 = arith.constant 0 : i32
      %dma_wait3A_85 = arith.constant 0 : i32
      %dma_wait3A_86 = tpu.memref_slice %arg3[%dma_wait3A_84, %dma_wait3A_85] : memref<1000000x64xf32, #tpu.memory_space<hbm>> -> memref<1000000x64xf32, #tpu.memory_space<hbm>>
      tpu.wait_indirect_dma semaphore(%arg8 : memref<!tpu.dma_semaphore, #tpu.memory_space<semaphore_mem>>) src(%dma_wait3A_86 : memref<1000000x64xf32, #tpu.memory_space<hbm>>) dst(%dma_wait3A_80 : memref<128x64xf32, #tpu.memory_space<vmem>>)
      %mul3A_87 = arith.constant 5 : i32
      %mul3A_88 = arith.muli %add3A_69, %mul3A_87 : i32
      %add3A_89 = arith.constant 1 : i32
      %add3A_90 = arith.addi %mul3A_88, %add3A_89 : i32
      %dma_wait3A_91 = arith.constant 128 : i32
      %dma_wait3A_92 = arith.constant 0 : i32
      %dma_wait3A_93 = tpu.memref_slice %arg6[%dma_wait3A_91, %dma_wait3A_92] : memref<640x64xf32, #tpu.memory_space<vmem>> -> memref<128x64xf32, #tpu.memory_space<vmem>>
      %dma_wait3A_94 = arith.constant 0 : i32
      %dma_wait3A_95 = tpu.memref_slice %arg5[%add3A_90, %dma_wait3A_94] : memref<200x128xi32, #tpu.memory_space<vmem>> -> memref<1x128xi32, #tpu.memory_space<vmem>>
      %dma_wait3A_96 = tpu.memref_squeeze %dma_wait3A_95 : memref<1x128xi32, #tpu.memory_space<vmem>> -> memref<128xi32, #tpu.memory_space<vmem>>
      %dma_wait3A_97 = arith.constant 0 : i32
      %dma_wait3A_98 = arith.constant 0 : i32
      %dma_wait3A_99 = tpu.memref_slice %arg3[%dma_wait3A_97, %dma_wait3A_98] : memref<1000000x64xf32, #tpu.memory_space<hbm>> -> memref<1000000x64xf32, #tpu.memory_space<hbm>>
      tpu.wait_indirect_dma semaphore(%arg8 : memref<!tpu.dma_semaphore, #tpu.memory_space<semaphore_mem>>) src(%dma_wait3A_99 : memref<1000000x64xf32, #tpu.memory_space<hbm>>) dst(%dma_wait3A_93 : memref<128x64xf32, #tpu.memory_space<vmem>>)
      %mul3A_100 = arith.constant 5 : i32
      %mul3A_101 = arith.muli %add3A_69, %mul3A_100 : i32
      %add3A_102 = arith.constant 2 : i32
      %add3A_103 = arith.addi %mul3A_101, %add3A_102 : i32
      %dma_wait3A_104 = arith.constant 256 : i32
      %dma_wait3A_105 = arith.constant 0 : i32
      %dma_wait3A_106 = tpu.memref_slice %arg6[%dma_wait3A_104, %dma_wait3A_105] : memref<640x64xf32, #tpu.memory_space<vmem>> -> memref<128x64xf32, #tpu.memory_space<vmem>>
      %dma_wait3A_107 = arith.constant 0 : i32
      %dma_wait3A_108 = tpu.memref_slice %arg5[%add3A_103, %dma_wait3A_107] : memref<200x128xi32, #tpu.memory_space<vmem>> -> memref<1x128xi32, #tpu.memory_space<vmem>>
      %dma_wait3A_109 = tpu.memref_squeeze %dma_wait3A_108 : memref<1x128xi32, #tpu.memory_space<vmem>> -> memref<128xi32, #tpu.memory_space<vmem>>
      %dma_wait3A_110 = arith.constant 0 : i32
      %dma_wait3A_111 = arith.constant 0 : i32
      %dma_wait3A_112 = tpu.memref_slice %arg3[%dma_wait3A_110, %dma_wait3A_111] : memref<1000000x64xf32, #tpu.memory_space<hbm>> -> memref<1000000x64xf32, #tpu.memory_space<hbm>>
      tpu.wait_indirect_dma semaphore(%arg8 : memref<!tpu.dma_semaphore, #tpu.memory_space<semaphore_mem>>) src(%dma_wait3A_112 : memref<1000000x64xf32, #tpu.memory_space<hbm>>) dst(%dma_wait3A_106 : memref<128x64xf32, #tpu.memory_space<vmem>>)
      %mul3A_113 = arith.constant 5 : i32
      %mul3A_114 = arith.muli %add3A_69, %mul3A_113 : i32
      %add3A_115 = arith.constant 3 : i32
      %add3A_116 = arith.addi %mul3A_114, %add3A_115 : i32
      %dma_wait3A_117 = arith.constant 384 : i32
      %dma_wait3A_118 = arith.constant 0 : i32
      %dma_wait3A_119 = tpu.memref_slice %arg6[%dma_wait3A_117, %dma_wait3A_118] : memref<640x64xf32, #tpu.memory_space<vmem>> -> memref<128x64xf32, #tpu.memory_space<vmem>>
      %dma_wait3A_120 = arith.constant 0 : i32
      %dma_wait3A_121 = tpu.memref_slice %arg5[%add3A_116, %dma_wait3A_120] : memref<200x128xi32, #tpu.memory_space<vmem>> -> memref<1x128xi32, #tpu.memory_space<vmem>>
      %dma_wait3A_122 = tpu.memref_squeeze %dma_wait3A_121 : memref<1x128xi32, #tpu.memory_space<vmem>> -> memref<128xi32, #tpu.memory_space<vmem>>
      %dma_wait3A_123 = arith.constant 0 : i32
      %dma_wait3A_124 = arith.constant 0 : i32
      %dma_wait3A_125 = tpu.memref_slice %arg3[%dma_wait3A_123, %dma_wait3A_124] : memref<1000000x64xf32, #tpu.memory_space<hbm>> -> memref<1000000x64xf32, #tpu.memory_space<hbm>>
      tpu.wait_indirect_dma semaphore(%arg8 : memref<!tpu.dma_semaphore, #tpu.memory_space<semaphore_mem>>) src(%dma_wait3A_125 : memref<1000000x64xf32, #tpu.memory_space<hbm>>) dst(%dma_wait3A_119 : memref<128x64xf32, #tpu.memory_space<vmem>>)
      %mul3A_126 = arith.constant 5 : i32
      %mul3A_127 = arith.muli %add3A_69, %mul3A_126 : i32
      %add3A_128 = arith.constant 4 : i32
      %add3A_129 = arith.addi %mul3A_127, %add3A_128 : i32
      %dma_wait3A_130 = arith.constant 512 : i32
      %dma_wait3A_131 = arith.constant 0 : i32
      %dma_wait3A_132 = tpu.memref_slice %arg6[%dma_wait3A_130, %dma_wait3A_131] : memref<640x64xf32, #tpu.memory_space<vmem>> -> memref<128x64xf32, #tpu.memory_space<vmem>>
      %dma_wait3A_133 = arith.constant 0 : i32
      %dma_wait3A_134 = tpu.memref_slice %arg5[%add3A_129, %dma_wait3A_133] : memref<200x128xi32, #tpu.memory_space<vmem>> -> memref<1x128xi32, #tpu.memory_space<vmem>>
      %dma_wait3A_135 = tpu.memref_squeeze %dma_wait3A_134 : memref<1x128xi32, #tpu.memory_space<vmem>> -> memref<128xi32, #tpu.memory_space<vmem>>
      %dma_wait3A_136 = arith.constant 0 : i32
      %dma_wait3A_137 = arith.constant 0 : i32
      %dma_wait3A_138 = tpu.memref_slice %arg3[%dma_wait3A_136, %dma_wait3A_137] : memref<1000000x64xf32, #tpu.memory_space<hbm>> -> memref<1000000x64xf32, #tpu.memory_space<hbm>>
      tpu.wait_indirect_dma semaphore(%arg8 : memref<!tpu.dma_semaphore, #tpu.memory_space<semaphore_mem>>) src(%dma_wait3A_138 : memref<1000000x64xf32, #tpu.memory_space<hbm>>) dst(%dma_wait3A_132 : memref<128x64xf32, #tpu.memory_space<vmem>>)
      %scan3A_139 = arith.constant 0 : i32
      %scan3A_140 = arith.constant 640 : i32
      %scan3A_141 = arith.addi %scan3A_139, %scan3A_140 : i32
      %scan3A_142 = arith.constant 1 : i32
      scf.for %scan3A_237 = %scan3A_139 to %scan3A_141 step %scan3A_142  : i32 {
        %mul3A_238 = arith.constant 1 : i32
        %mul3A_239 = arith.muli %scan3A_237, %mul3A_238 : i32
        %add3A_240 = arith.constant 0 : i32
        %add3A_241 = arith.addi %add3A_240, %mul3A_239 : i32
        %get3A = arith.index_cast %add3A_241 : i32 to index
        %get3A_242 = arith.constant 0 : index
        %get3A_243 = tpu.vector_load %arg6[%get3A, %get3A_242] {strides = array<i32>} : memref<640x64xf32, #tpu.memory_space<vmem>>, vector<1x16xf32>,
        %get3A_244 = vector.shape_cast %get3A_243 : vector<1x16xf32> to vector<16xf32>
        %mul3A_245 = arith.constant 8.000000e+00 : f32
        %mul3A_246 = vector.broadcast %mul3A_245 : f32 to vector<16xf32>
        %mul3A_247 = arith.mulf %get3A_244, %mul3A_246 : vector<16xf32>
        %swap3A = arith.index_cast %add3A_241 : i32 to index
        %swap3A_248 = arith.constant 0 : index
        %swap3A_249 = tpu.vector_load %arg6[%swap3A, %swap3A_248] {strides = array<i32>} : memref<640x64xf32, #tpu.memory_space<vmem>>, vector<1x16xf32>,
        %swap3A_250 = vector.shape_cast %swap3A_249 : vector<1x16xf32> to vector<16xf32>
        %swap3A_251 = vector.shape_cast %mul3A_247 : vector<16xf32> to vector<1x16xf32>
        tpu.vector_store %arg6[%swap3A, %swap3A_248], %swap3A_251 {strides = array<i32>} : memref<640x64xf32, #tpu.memory_space<vmem>>, vector<1x16xf32>,
        %get3A_252 = arith.index_cast %add3A_241 : i32 to index
        %get3A_253 = arith.constant 16 : index
        %get3A_254 = tpu.vector_load %arg6[%get3A_252, %get3A_253] {strides = array<i32>} : memref<640x64xf32, #tpu.memory_space<vmem>>, vector<1x16xf32>,
        %get3A_255 = vector.shape_cast %get3A_254 : vector<1x16xf32> to vector<16xf32>
        %mul3A_256 = arith.constant 8.000000e+00 : f32
        %mul3A_257 = vector.broadcast %mul3A_256 : f32 to vector<16xf32>
        %mul3A_258 = arith.mulf %get3A_255, %mul3A_257 : vector<16xf32>
        %swap3A_259 = arith.index_cast %add3A_241 : i32 to index
        %swap3A_260 = arith.constant 16 : index
        %swap3A_261 = tpu.vector_load %arg6[%swap3A_259, %swap3A_260] {strides = array<i32>} : memref<640x64xf32, #tpu.memory_space<vmem>>, vector<1x16xf32>,
        %swap3A_262 = vector.shape_cast %swap3A_261 : vector<1x16xf32> to vector<16xf32>
        %swap3A_263 = vector.shape_cast %mul3A_258 : vector<16xf32> to vector<1x16xf32>
        tpu.vector_store %arg6[%swap3A_259, %swap3A_260], %swap3A_263 {strides = array<i32>} : memref<640x64xf32, #tpu.memory_space<vmem>>, vector<1x16xf32>,
        %get3A_264 = arith.index_cast %add3A_241 : i32 to index
        %get3A_265 = arith.constant 32 : index
        %get3A_266 = tpu.vector_load %arg6[%get3A_264, %get3A_265] {strides = array<i32>} : memref<640x64xf32, #tpu.memory_space<vmem>>, vector<1x16xf32>,
        %get3A_267 = vector.shape_cast %get3A_266 : vector<1x16xf32> to vector<16xf32>
        %mul3A_268 = arith.constant 8.000000e+00 : f32
        %mul3A_269 = vector.broadcast %mul3A_268 : f32 to vector<16xf32>
        %mul3A_270 = arith.mulf %get3A_267, %mul3A_269 : vector<16xf32>
        %swap3A_271 = arith.index_cast %add3A_241 : i32 to index
        %swap3A_272 = arith.constant 32 : index
        %swap3A_273 = tpu.vector_load %arg6[%swap3A_271, %swap3A_272] {strides = array<i32>} : memref<640x64xf32, #tpu.memory_space<vmem>>, vector<1x16xf32>,
        %swap3A_274 = vector.shape_cast %swap3A_273 : vector<1x16xf32> to vector<16xf32>
        %swap3A_275 = vector.shape_cast %mul3A_270 : vector<16xf32> to vector<1x16xf32>
        tpu.vector_store %arg6[%swap3A_271, %swap3A_272], %swap3A_275 {strides = array<i32>} : memref<640x64xf32, #tpu.memory_space<vmem>>, vector<1x16xf32>,
        %get3A_276 = arith.index_cast %add3A_241 : i32 to index
        %get3A_277 = arith.constant 48 : index
        %get3A_278 = tpu.vector_load %arg6[%get3A_276, %get3A_277] {strides = array<i32>} : memref<640x64xf32, #tpu.memory_space<vmem>>, vector<1x16xf32>,
        %get3A_279 = vector.shape_cast %get3A_278 : vector<1x16xf32> to vector<16xf32>
        %mul3A_280 = arith.constant 8.000000e+00 : f32
        %mul3A_281 = vector.broadcast %mul3A_280 : f32 to vector<16xf32>
        %mul3A_282 = arith.mulf %get3A_279, %mul3A_281 : vector<16xf32>
        %swap3A_283 = arith.index_cast %add3A_241 : i32 to index
        %swap3A_284 = arith.constant 48 : index
        %swap3A_285 = tpu.vector_load %arg6[%swap3A_283, %swap3A_284] {strides = array<i32>} : memref<640x64xf32, #tpu.memory_space<vmem>>, vector<1x16xf32>,
        %swap3A_286 = vector.shape_cast %swap3A_285 : vector<1x16xf32> to vector<16xf32>
        %swap3A_287 = vector.shape_cast %mul3A_282 : vector<16xf32> to vector<1x16xf32>
        tpu.vector_store %arg6[%swap3A_283, %swap3A_284], %swap3A_287 {strides = array<i32>} : memref<640x64xf32, #tpu.memory_space<vmem>>, vector<1x16xf32>,
      }
      %scan3A_143 = arith.constant 640 : i32
      %mul3A_144 = arith.constant 640 : i32
      %mul3A_145 = arith.muli %add3A_69, %mul3A_144 : i32
      %add3A_146 = arith.addi %mul3A_2, %mul3A_145 : i32
      %dma_start3A_147 = arith.constant 0 : i32
      %dma_start3A_148 = tpu.memref_slice %arg4[%add3A_146, %dma_start3A_147] : memref<819200x64xf32, #tpu.memory_space<hbm>> -> memref<640x64xf32, #tpu.memory_space<hbm>>
      %dma_start3A_149 = arith.constant 0 : i32
      %dma_start3A_150 = tpu.memref_slice %arg4[%add3A_146, %dma_start3A_149] : memref<819200x64xf32, #tpu.memory_space<hbm>> -> memref<640x64xf32, #tpu.memory_space<hbm>>
      tpu.enqueue_dma source(%arg6 : memref<640x64xf32, #tpu.memory_space<vmem>>) target(%dma_start3A_150 : memref<640x64xf32, #tpu.memory_space<hbm>>) target_semaphore(%arg10 : memref<!tpu.dma_semaphore, #tpu.memory_space<semaphore_mem>>)
      %add3A_151 = arith.constant 1 : i32
      %add3A_152 = arith.addi %add3A_67, %add3A_151 : i32
      %add3A_153 = arith.constant 1 : i32
      %add3A_154 = arith.addi %add3A_152, %add3A_153 : i32
      %lt3A_155 = arith.constant 40 : i32
      %lt3A_156 = arith.cmpi slt, %add3A_154, %lt3A_155 : i32
      %convert_element_type3A_157 = arith.extui %lt3A_156 : i1 to i32
      %cond3A_158 = arith.constant 0 : i32
      %cond3A_159 = arith.cmpi ne, %convert_element_type3A_157, %cond3A_158 : i32
      scf.if %cond3A_159 {
        %ge3A = arith.constant 1 : i32
        %ge3A_237 = arith.cmpi sge, %add3A_152, %ge3A : i32
        %convert_element_type3A_238 = arith.extui %ge3A_237 : i1 to i32
        %cond3A_239 = arith.constant 0 : i32
        %cond3A_240 = arith.cmpi ne, %convert_element_type3A_238, %cond3A_239 : i32
        scf.if %cond3A_240 {
          %dma_wait3A_308 = arith.constant 0 : i32
          %dma_wait3A_309 = tpu.memref_slice %arg4[%mul3A_2, %dma_wait3A_308] : memref<819200x64xf32, #tpu.memory_space<hbm>> -> memref<640x64xf32, #tpu.memory_space<hbm>>
          %dma_wait3A_310 = arith.constant 0 : i32
          %dma_wait3A_311 = tpu.memref_slice %arg4[%mul3A_2, %dma_wait3A_310] : memref<819200x64xf32, #tpu.memory_space<hbm>> -> memref<640x64xf32, #tpu.memory_space<hbm>>
          tpu.wait_dma2 semaphore(%arg10 : memref<!tpu.dma_semaphore, #tpu.memory_space<semaphore_mem>>) src(%arg6 : memref<640x64xf32, #tpu.memory_space<vmem>>) dst(%dma_wait3A_311 : memref<640x64xf32, #tpu.memory_space<hbm>>)
        } else {
        }
        %add3A_241 = arith.constant 1 : i32
        %add3A_242 = arith.addi %add3A_152, %add3A_241 : i32
        %mul3A_243 = arith.constant 5 : i32
        %mul3A_244 = arith.muli %add3A_242, %mul3A_243 : i32
        %add3A_245 = arith.constant 0 : i32
        %add3A_246 = arith.addi %mul3A_244, %add3A_245 : i32
        %dma_start3A_247 = arith.constant 0 : i32
        %dma_start3A_248 = arith.constant 0 : i32
        %dma_start3A_249 = tpu.memref_slice %arg6[%dma_start3A_247, %dma_start3A_248] : memref<640x64xf32, #tpu.memory_space<vmem>> -> memref<128x64xf32, #tpu.memory_space<vmem>>
        %dma_start3A_250 = arith.constant 0 : i32
        %dma_start3A_251 = tpu.memref_slice %arg5[%add3A_246, %dma_start3A_250] : memref<200x128xi32, #tpu.memory_space<vmem>> -> memref<1x128xi32, #tpu.memory_space<vmem>>
        %dma_start3A_252 = tpu.memref_squeeze %dma_start3A_251 : memref<1x128xi32, #tpu.memory_space<vmem>> -> memref<128xi32, #tpu.memory_space<vmem>>
        %dma_start3A_253 = arith.constant 0 : i32
        %dma_start3A_254 = arith.constant 0 : i32
        %dma_start3A_255 = tpu.memref_slice %arg3[%dma_start3A_253, %dma_start3A_254] : memref<1000000x64xf32, #tpu.memory_space<hbm>> -> memref<1000000x64xf32, #tpu.memory_space<hbm>>
        tpu.enqueue_indirect_dma source(%dma_start3A_255 : memref<1000000x64xf32, #tpu.memory_space<hbm>>) target(%dma_start3A_249 : memref<128x64xf32, #tpu.memory_space<vmem>>) offsets(%dma_start3A_252 : memref<128xi32, #tpu.memory_space<vmem>>) semaphore(%arg8 : memref<!tpu.dma_semaphore, #tpu.memory_space<semaphore_mem>>)
        %mul3A_256 = arith.constant 5 : i32
        %mul3A_257 = arith.muli %add3A_242, %mul3A_256 : i32
        %add3A_258 = arith.constant 1 : i32
        %add3A_259 = arith.addi %mul3A_257, %add3A_258 : i32
        %dma_start3A_260 = arith.constant 128 : i32
        %dma_start3A_261 = arith.constant 0 : i32
        %dma_start3A_262 = tpu.memref_slice %arg6[%dma_start3A_260, %dma_start3A_261] : memref<640x64xf32, #tpu.memory_space<vmem>> -> memref<128x64xf32, #tpu.memory_space<vmem>>
        %dma_start3A_263 = arith.constant 0 : i32
        %dma_start3A_264 = tpu.memref_slice %arg5[%add3A_259, %dma_start3A_263] : memref<200x128xi32, #tpu.memory_space<vmem>> -> memref<1x128xi32, #tpu.memory_space<vmem>>
        %dma_start3A_265 = tpu.memref_squeeze %dma_start3A_264 : memref<1x128xi32, #tpu.memory_space<vmem>> -> memref<128xi32, #tpu.memory_space<vmem>>
        %dma_start3A_266 = arith.constant 0 : i32
        %dma_start3A_267 = arith.constant 0 : i32
        %dma_start3A_268 = tpu.memref_slice %arg3[%dma_start3A_266, %dma_start3A_267] : memref<1000000x64xf32, #tpu.memory_space<hbm>> -> memref<1000000x64xf32, #tpu.memory_space<hbm>>
        tpu.enqueue_indirect_dma source(%dma_start3A_268 : memref<1000000x64xf32, #tpu.memory_space<hbm>>) target(%dma_start3A_262 : memref<128x64xf32, #tpu.memory_space<vmem>>) offsets(%dma_start3A_265 : memref<128xi32, #tpu.memory_space<vmem>>) semaphore(%arg8 : memref<!tpu.dma_semaphore, #tpu.memory_space<semaphore_mem>>)
        %mul3A_269 = arith.constant 5 : i32
        %mul3A_270 = arith.muli %add3A_242, %mul3A_269 : i32
        %add3A_271 = arith.constant 2 : i32
        %add3A_272 = arith.addi %mul3A_270, %add3A_271 : i32
        %dma_start3A_273 = arith.constant 256 : i32
        %dma_start3A_274 = arith.constant 0 : i32
        %dma_start3A_275 = tpu.memref_slice %arg6[%dma_start3A_273, %dma_start3A_274] : memref<640x64xf32, #tpu.memory_space<vmem>> -> memref<128x64xf32, #tpu.memory_space<vmem>>
        %dma_start3A_276 = arith.constant 0 : i32
        %dma_start3A_277 = tpu.memref_slice %arg5[%add3A_272, %dma_start3A_276] : memref<200x128xi32, #tpu.memory_space<vmem>> -> memref<1x128xi32, #tpu.memory_space<vmem>>
        %dma_start3A_278 = tpu.memref_squeeze %dma_start3A_277 : memref<1x128xi32, #tpu.memory_space<vmem>> -> memref<128xi32, #tpu.memory_space<vmem>>
        %dma_start3A_279 = arith.constant 0 : i32
        %dma_start3A_280 = arith.constant 0 : i32
        %dma_start3A_281 = tpu.memref_slice %arg3[%dma_start3A_279, %dma_start3A_280] : memref<1000000x64xf32, #tpu.memory_space<hbm>> -> memref<1000000x64xf32, #tpu.memory_space<hbm>>
        tpu.enqueue_indirect_dma source(%dma_start3A_281 : memref<1000000x64xf32, #tpu.memory_space<hbm>>) target(%dma_start3A_275 : memref<128x64xf32, #tpu.memory_space<vmem>>) offsets(%dma_start3A_278 : memref<128xi32, #tpu.memory_space<vmem>>) semaphore(%arg8 : memref<!tpu.dma_semaphore, #tpu.memory_space<semaphore_mem>>)
        %mul3A_282 = arith.constant 5 : i32
        %mul3A_283 = arith.muli %add3A_242, %mul3A_282 : i32
        %add3A_284 = arith.constant 3 : i32
        %add3A_285 = arith.addi %mul3A_283, %add3A_284 : i32
        %dma_start3A_286 = arith.constant 384 : i32
        %dma_start3A_287 = arith.constant 0 : i32
        %dma_start3A_288 = tpu.memref_slice %arg6[%dma_start3A_286, %dma_start3A_287] : memref<640x64xf32, #tpu.memory_space<vmem>> -> memref<128x64xf32, #tpu.memory_space<vmem>>
        %dma_start3A_289 = arith.constant 0 : i32
        %dma_start3A_290 = tpu.memref_slice %arg5[%add3A_285, %dma_start3A_289] : memref<200x128xi32, #tpu.memory_space<vmem>> -> memref<1x128xi32, #tpu.memory_space<vmem>>
        %dma_start3A_291 = tpu.memref_squeeze %dma_start3A_290 : memref<1x128xi32, #tpu.memory_space<vmem>> -> memref<128xi32, #tpu.memory_space<vmem>>
        %dma_start3A_292 = arith.constant 0 : i32
        %dma_start3A_293 = arith.constant 0 : i32
        %dma_start3A_294 = tpu.memref_slice %arg3[%dma_start3A_292, %dma_start3A_293] : memref<1000000x64xf32, #tpu.memory_space<hbm>> -> memref<1000000x64xf32, #tpu.memory_space<hbm>>
        tpu.enqueue_indirect_dma source(%dma_start3A_294 : memref<1000000x64xf32, #tpu.memory_space<hbm>>) target(%dma_start3A_288 : memref<128x64xf32, #tpu.memory_space<vmem>>) offsets(%dma_start3A_291 : memref<128xi32, #tpu.memory_space<vmem>>) semaphore(%arg8 : memref<!tpu.dma_semaphore, #tpu.memory_space<semaphore_mem>>)
        %mul3A_295 = arith.constant 5 : i32
        %mul3A_296 = arith.muli %add3A_242, %mul3A_295 : i32
        %add3A_297 = arith.constant 4 : i32
        %add3A_298 = arith.addi %mul3A_296, %add3A_297 : i32
        %dma_start3A_299 = arith.constant 512 : i32
        %dma_start3A_300 = arith.constant 0 : i32
        %dma_start3A_301 = tpu.memref_slice %arg6[%dma_start3A_299, %dma_start3A_300] : memref<640x64xf32, #tpu.memory_space<vmem>> -> memref<128x64xf32, #tpu.memory_space<vmem>>
        %dma_start3A_302 = arith.constant 0 : i32
        %dma_start3A_303 = tpu.memref_slice %arg5[%add3A_298, %dma_start3A_302] : memref<200x128xi32, #tpu.memory_space<vmem>> -> memref<1x128xi32, #tpu.memory_space<vmem>>
        %dma_start3A_304 = tpu.memref_squeeze %dma_start3A_303 : memref<1x128xi32, #tpu.memory_space<vmem>> -> memref<128xi32, #tpu.memory_space<vmem>>
        %dma_start3A_305 = arith.constant 0 : i32
        %dma_start3A_306 = arith.constant 0 : i32
        %dma_start3A_307 = tpu.memref_slice %arg3[%dma_start3A_305, %dma_start3A_306] : memref<1000000x64xf32, #tpu.memory_space<hbm>> -> memref<1000000x64xf32, #tpu.memory_space<hbm>>
        tpu.enqueue_indirect_dma source(%dma_start3A_307 : memref<1000000x64xf32, #tpu.memory_space<hbm>>) target(%dma_start3A_301 : memref<128x64xf32, #tpu.memory_space<vmem>>) offsets(%dma_start3A_304 : memref<128xi32, #tpu.memory_space<vmem>>) semaphore(%arg8 : memref<!tpu.dma_semaphore, #tpu.memory_space<semaphore_mem>>)
      } else {
      }
      %mul3A_160 = arith.constant 5 : i32
      %mul3A_161 = arith.muli %add3A_152, %mul3A_160 : i32
      %add3A_162 = arith.constant 0 : i32
      %add3A_163 = arith.addi %mul3A_161, %add3A_162 : i32
      %dma_wait3A_164 = arith.constant 0 : i32
      %dma_wait3A_165 = arith.constant 0 : i32
      %dma_wait3A_166 = tpu.memref_slice %arg7[%dma_wait3A_164, %dma_wait3A_165] : memref<640x64xf32, #tpu.memory_space<vmem>> -> memref<128x64xf32, #tpu.memory_space<vmem>>
      %dma_wait3A_167 = arith.constant 0 : i32
      %dma_wait3A_168 = tpu.memref_slice %arg5[%add3A_163, %dma_wait3A_167] : memref<200x128xi32, #tpu.memory_space<vmem>> -> memref<1x128xi32, #tpu.memory_space<vmem>>
      %dma_wait3A_169 = tpu.memref_squeeze %dma_wait3A_168 : memref<1x128xi32, #tpu.memory_space<vmem>> -> memref<128xi32, #tpu.memory_space<vmem>>
      %dma_wait3A_170 = arith.constant 0 : i32
      %dma_wait3A_171 = arith.constant 0 : i32
      %dma_wait3A_172 = tpu.memref_slice %arg3[%dma_wait3A_170, %dma_wait3A_171] : memref<1000000x64xf32, #tpu.memory_space<hbm>> -> memref<1000000x64xf32, #tpu.memory_space<hbm>>
      tpu.wait_indirect_dma semaphore(%arg9 : memref<!tpu.dma_semaphore, #tpu.memory_space<semaphore_mem>>) src(%dma_wait3A_172 : memref<1000000x64xf32, #tpu.memory_space<hbm>>) dst(%dma_wait3A_166 : memref<128x64xf32, #tpu.memory_space<vmem>>)
      %mul3A_173 = arith.constant 5 : i32
      %mul3A_174 = arith.muli %add3A_152, %mul3A_173 : i32
      %add3A_175 = arith.constant 1 : i32
      %add3A_176 = arith.addi %mul3A_174, %add3A_175 : i32
      %dma_wait3A_177 = arith.constant 128 : i32
      %dma_wait3A_178 = arith.constant 0 : i32
      %dma_wait3A_179 = tpu.memref_slice %arg7[%dma_wait3A_177, %dma_wait3A_178] : memref<640x64xf32, #tpu.memory_space<vmem>> -> memref<128x64xf32, #tpu.memory_space<vmem>>
      %dma_wait3A_180 = arith.constant 0 : i32
      %dma_wait3A_181 = tpu.memref_slice %arg5[%add3A_176, %dma_wait3A_180] : memref<200x128xi32, #tpu.memory_space<vmem>> -> memref<1x128xi32, #tpu.memory_space<vmem>>
      %dma_wait3A_182 = tpu.memref_squeeze %dma_wait3A_181 : memref<1x128xi32, #tpu.memory_space<vmem>> -> memref<128xi32, #tpu.memory_space<vmem>>
      %dma_wait3A_183 = arith.constant 0 : i32
      %dma_wait3A_184 = arith.constant 0 : i32
      %dma_wait3A_185 = tpu.memref_slice %arg3[%dma_wait3A_183, %dma_wait3A_184] : memref<1000000x64xf32, #tpu.memory_space<hbm>> -> memref<1000000x64xf32, #tpu.memory_space<hbm>>
      tpu.wait_indirect_dma semaphore(%arg9 : memref<!tpu.dma_semaphore, #tpu.memory_space<semaphore_mem>>) src(%dma_wait3A_185 : memref<1000000x64xf32, #tpu.memory_space<hbm>>) dst(%dma_wait3A_179 : memref<128x64xf32, #tpu.memory_space<vmem>>)
      %mul3A_186 = arith.constant 5 : i32
      %mul3A_187 = arith.muli %add3A_152, %mul3A_186 : i32
      %add3A_188 = arith.constant 2 : i32
      %add3A_189 = arith.addi %mul3A_187, %add3A_188 : i32
      %dma_wait3A_190 = arith.constant 256 : i32
      %dma_wait3A_191 = arith.constant 0 : i32
      %dma_wait3A_192 = tpu.memref_slice %arg7[%dma_wait3A_190, %dma_wait3A_191] : memref<640x64xf32, #tpu.memory_space<vmem>> -> memref<128x64xf32, #tpu.memory_space<vmem>>
      %dma_wait3A_193 = arith.constant 0 : i32
      %dma_wait3A_194 = tpu.memref_slice %arg5[%add3A_189, %dma_wait3A_193] : memref<200x128xi32, #tpu.memory_space<vmem>> -> memref<1x128xi32, #tpu.memory_space<vmem>>
      %dma_wait3A_195 = tpu.memref_squeeze %dma_wait3A_194 : memref<1x128xi32, #tpu.memory_space<vmem>> -> memref<128xi32, #tpu.memory_space<vmem>>
      %dma_wait3A_196 = arith.constant 0 : i32
      %dma_wait3A_197 = arith.constant 0 : i32
      %dma_wait3A_198 = tpu.memref_slice %arg3[%dma_wait3A_196, %dma_wait3A_197] : memref<1000000x64xf32, #tpu.memory_space<hbm>> -> memref<1000000x64xf32, #tpu.memory_space<hbm>>
      tpu.wait_indirect_dma semaphore(%arg9 : memref<!tpu.dma_semaphore, #tpu.memory_space<semaphore_mem>>) src(%dma_wait3A_198 : memref<1000000x64xf32, #tpu.memory_space<hbm>>) dst(%dma_wait3A_192 : memref<128x64xf32, #tpu.memory_space<vmem>>)
      %mul3A_199 = arith.constant 5 : i32
      %mul3A_200 = arith.muli %add3A_152, %mul3A_199 : i32
      %add3A_201 = arith.constant 3 : i32
      %add3A_202 = arith.addi %mul3A_200, %add3A_201 : i32
      %dma_wait3A_203 = arith.constant 384 : i32
      %dma_wait3A_204 = arith.constant 0 : i32
      %dma_wait3A_205 = tpu.memref_slice %arg7[%dma_wait3A_203, %dma_wait3A_204] : memref<640x64xf32, #tpu.memory_space<vmem>> -> memref<128x64xf32, #tpu.memory_space<vmem>>
      %dma_wait3A_206 = arith.constant 0 : i32
      %dma_wait3A_207 = tpu.memref_slice %arg5[%add3A_202, %dma_wait3A_206] : memref<200x128xi32, #tpu.memory_space<vmem>> -> memref<1x128xi32, #tpu.memory_space<vmem>>
      %dma_wait3A_208 = tpu.memref_squeeze %dma_wait3A_207 : memref<1x128xi32, #tpu.memory_space<vmem>> -> memref<128xi32, #tpu.memory_space<vmem>>
      %dma_wait3A_209 = arith.constant 0 : i32
      %dma_wait3A_210 = arith.constant 0 : i32
      %dma_wait3A_211 = tpu.memref_slice %arg3[%dma_wait3A_209, %dma_wait3A_210] : memref<1000000x64xf32, #tpu.memory_space<hbm>> -> memref<1000000x64xf32, #tpu.memory_space<hbm>>
      tpu.wait_indirect_dma semaphore(%arg9 : memref<!tpu.dma_semaphore, #tpu.memory_space<semaphore_mem>>) src(%dma_wait3A_211 : memref<1000000x64xf32, #tpu.memory_space<hbm>>) dst(%dma_wait3A_205 : memref<128x64xf32, #tpu.memory_space<vmem>>)
      %mul3A_212 = arith.constant 5 : i32
      %mul3A_213 = arith.muli %add3A_152, %mul3A_212 : i32
      %add3A_214 = arith.constant 4 : i32
      %add3A_215 = arith.addi %mul3A_213, %add3A_214 : i32
      %dma_wait3A_216 = arith.constant 512 : i32
      %dma_wait3A_217 = arith.constant 0 : i32
      %dma_wait3A_218 = tpu.memref_slice %arg7[%dma_wait3A_216, %dma_wait3A_217] : memref<640x64xf32, #tpu.memory_space<vmem>> -> memref<128x64xf32, #tpu.memory_space<vmem>>
      %dma_wait3A_219 = arith.constant 0 : i32
      %dma_wait3A_220 = tpu.memref_slice %arg5[%add3A_215, %dma_wait3A_219] : memref<200x128xi32, #tpu.memory_space<vmem>> -> memref<1x128xi32, #tpu.memory_space<vmem>>
      %dma_wait3A_221 = tpu.memref_squeeze %dma_wait3A_220 : memref<1x128xi32, #tpu.memory_space<vmem>> -> memref<128xi32, #tpu.memory_space<vmem>>
      %dma_wait3A_222 = arith.constant 0 : i32
      %dma_wait3A_223 = arith.constant 0 : i32
      %dma_wait3A_224 = tpu.memref_slice %arg3[%dma_wait3A_222, %dma_wait3A_223] : memref<1000000x64xf32, #tpu.memory_space<hbm>> -> memref<1000000x64xf32, #tpu.memory_space<hbm>>
      tpu.wait_indirect_dma semaphore(%arg9 : memref<!tpu.dma_semaphore, #tpu.memory_space<semaphore_mem>>) src(%dma_wait3A_224 : memref<1000000x64xf32, #tpu.memory_space<hbm>>) dst(%dma_wait3A_218 : memref<128x64xf32, #tpu.memory_space<vmem>>)
      %scan3A_225 = arith.constant 0 : i32
      %scan3A_226 = arith.constant 640 : i32
      %scan3A_227 = arith.addi %scan3A_225, %scan3A_226 : i32
      %scan3A_228 = arith.constant 1 : i32
      scf.for %scan3A_237 = %scan3A_225 to %scan3A_227 step %scan3A_228  : i32 {
        %mul3A_238 = arith.constant 1 : i32
        %mul3A_239 = arith.muli %scan3A_237, %mul3A_238 : i32
        %add3A_240 = arith.constant 0 : i32
        %add3A_241 = arith.addi %add3A_240, %mul3A_239 : i32
        %get3A = arith.index_cast %add3A_241 : i32 to index
        %get3A_242 = arith.constant 0 : index
        %get3A_243 = tpu.vector_load %arg7[%get3A, %get3A_242] {strides = array<i32>} : memref<640x64xf32, #tpu.memory_space<vmem>>, vector<1x16xf32>,
        %get3A_244 = vector.shape_cast %get3A_243 : vector<1x16xf32> to vector<16xf32>
        %mul3A_245 = arith.constant 8.000000e+00 : f32
        %mul3A_246 = vector.broadcast %mul3A_245 : f32 to vector<16xf32>
        %mul3A_247 = arith.mulf %get3A_244, %mul3A_246 : vector<16xf32>
        %swap3A = arith.index_cast %add3A_241 : i32 to index
        %swap3A_248 = arith.constant 0 : index
        %swap3A_249 = tpu.vector_load %arg7[%swap3A, %swap3A_248] {strides = array<i32>} : memref<640x64xf32, #tpu.memory_space<vmem>>, vector<1x16xf32>,
        %swap3A_250 = vector.shape_cast %swap3A_249 : vector<1x16xf32> to vector<16xf32>
        %swap3A_251 = vector.shape_cast %mul3A_247 : vector<16xf32> to vector<1x16xf32>
        tpu.vector_store %arg7[%swap3A, %swap3A_248], %swap3A_251 {strides = array<i32>} : memref<640x64xf32, #tpu.memory_space<vmem>>, vector<1x16xf32>,
        %get3A_252 = arith.index_cast %add3A_241 : i32 to index
        %get3A_253 = arith.constant 16 : index
        %get3A_254 = tpu.vector_load %arg7[%get3A_252, %get3A_253] {strides = array<i32>} : memref<640x64xf32, #tpu.memory_space<vmem>>, vector<1x16xf32>,
        %get3A_255 = vector.shape_cast %get3A_254 : vector<1x16xf32> to vector<16xf32>
        %mul3A_256 = arith.constant 8.000000e+00 : f32
        %mul3A_257 = vector.broadcast %mul3A_256 : f32 to vector<16xf32>
        %mul3A_258 = arith.mulf %get3A_255, %mul3A_257 : vector<16xf32>
        %swap3A_259 = arith.index_cast %add3A_241 : i32 to index
        %swap3A_260 = arith.constant 16 : index
        %swap3A_261 = tpu.vector_load %arg7[%swap3A_259, %swap3A_260] {strides = array<i32>} : memref<640x64xf32, #tpu.memory_space<vmem>>, vector<1x16xf32>,
        %swap3A_262 = vector.shape_cast %swap3A_261 : vector<1x16xf32> to vector<16xf32>
        %swap3A_263 = vector.shape_cast %mul3A_258 : vector<16xf32> to vector<1x16xf32>
        tpu.vector_store %arg7[%swap3A_259, %swap3A_260], %swap3A_263 {strides = array<i32>} : memref<640x64xf32, #tpu.memory_space<vmem>>, vector<1x16xf32>,
        %get3A_264 = arith.index_cast %add3A_241 : i32 to index
        %get3A_265 = arith.constant 32 : index
        %get3A_266 = tpu.vector_load %arg7[%get3A_264, %get3A_265] {strides = array<i32>} : memref<640x64xf32, #tpu.memory_space<vmem>>, vector<1x16xf32>,
        %get3A_267 = vector.shape_cast %get3A_266 : vector<1x16xf32> to vector<16xf32>
        %mul3A_268 = arith.constant 8.000000e+00 : f32
        %mul3A_269 = vector.broadcast %mul3A_268 : f32 to vector<16xf32>
        %mul3A_270 = arith.mulf %get3A_267, %mul3A_269 : vector<16xf32>
        %swap3A_271 = arith.index_cast %add3A_241 : i32 to index
        %swap3A_272 = arith.constant 32 : index
        %swap3A_273 = tpu.vector_load %arg7[%swap3A_271, %swap3A_272] {strides = array<i32>} : memref<640x64xf32, #tpu.memory_space<vmem>>, vector<1x16xf32>,
        %swap3A_274 = vector.shape_cast %swap3A_273 : vector<1x16xf32> to vector<16xf32>
        %swap3A_275 = vector.shape_cast %mul3A_270 : vector<16xf32> to vector<1x16xf32>
        tpu.vector_store %arg7[%swap3A_271, %swap3A_272], %swap3A_275 {strides = array<i32>} : memref<640x64xf32, #tpu.memory_space<vmem>>, vector<1x16xf32>,
        %get3A_276 = arith.index_cast %add3A_241 : i32 to index
        %get3A_277 = arith.constant 48 : index
        %get3A_278 = tpu.vector_load %arg7[%get3A_276, %get3A_277] {strides = array<i32>} : memref<640x64xf32, #tpu.memory_space<vmem>>, vector<1x16xf32>,
        %get3A_279 = vector.shape_cast %get3A_278 : vector<1x16xf32> to vector<16xf32>
        %mul3A_280 = arith.constant 8.000000e+00 : f32
        %mul3A_281 = vector.broadcast %mul3A_280 : f32 to vector<16xf32>
        %mul3A_282 = arith.mulf %get3A_279, %mul3A_281 : vector<16xf32>
        %swap3A_283 = arith.index_cast %add3A_241 : i32 to index
        %swap3A_284 = arith.constant 48 : index
        %swap3A_285 = tpu.vector_load %arg7[%swap3A_283, %swap3A_284] {strides = array<i32>} : memref<640x64xf32, #tpu.memory_space<vmem>>, vector<1x16xf32>,
        %swap3A_286 = vector.shape_cast %swap3A_285 : vector<1x16xf32> to vector<16xf32>
        %swap3A_287 = vector.shape_cast %mul3A_282 : vector<16xf32> to vector<1x16xf32>
        tpu.vector_store %arg7[%swap3A_283, %swap3A_284], %swap3A_287 {strides = array<i32>} : memref<640x64xf32, #tpu.memory_space<vmem>>, vector<1x16xf32>,
      }
      %scan3A_229 = arith.constant 640 : i32
      %mul3A_230 = arith.constant 640 : i32
      %mul3A_231 = arith.muli %add3A_152, %mul3A_230 : i32
      %add3A_232 = arith.addi %mul3A_2, %mul3A_231 : i32
      %dma_start3A_233 = arith.constant 0 : i32
      %dma_start3A_234 = tpu.memref_slice %arg4[%add3A_232, %dma_start3A_233] : memref<819200x64xf32, #tpu.memory_space<hbm>> -> memref<640x64xf32, #tpu.memory_space<hbm>>
      %dma_start3A_235 = arith.constant 0 : i32
      %dma_start3A_236 = tpu.memref_slice %arg4[%add3A_232, %dma_start3A_235] : memref<819200x64xf32, #tpu.memory_space<hbm>> -> memref<640x64xf32, #tpu.memory_space<hbm>>
      tpu.enqueue_dma source(%arg7 : memref<640x64xf32, #tpu.memory_space<vmem>>) target(%dma_start3A_236 : memref<640x64xf32, #tpu.memory_space<hbm>>) target_semaphore(%arg11 : memref<!tpu.dma_semaphore, #tpu.memory_space<semaphore_mem>>)
    }
    %scan3A_55 = arith.constant 20 : i32
    %dma_wait3A = arith.constant 0 : i32
    %dma_wait3A_56 = tpu.memref_slice %arg4[%mul3A_2, %dma_wait3A] : memref<819200x64xf32, #tpu.memory_space<hbm>> -> memref<640x64xf32, #tpu.memory_space<hbm>>
    %dma_wait3A_57 = arith.constant 0 : i32
    %dma_wait3A_58 = tpu.memref_slice %arg4[%mul3A_2, %dma_wait3A_57] : memref<819200x64xf32, #tpu.memory_space<hbm>> -> memref<640x64xf32, #tpu.memory_space<hbm>>
    tpu.wait_dma2 semaphore(%arg10 : memref<!tpu.dma_semaphore, #tpu.memory_space<semaphore_mem>>) src(%arg6 : memref<640x64xf32, #tpu.memory_space<vmem>>) dst(%dma_wait3A_58 : memref<640x64xf32, #tpu.memory_space<hbm>>)
    %dma_wait3A_59 = arith.constant 0 : i32
    %dma_wait3A_60 = tpu.memref_slice %arg4[%mul3A_2, %dma_wait3A_59] : memref<819200x64xf32, #tpu.memory_space<hbm>> -> memref<640x64xf32, #tpu.memory_space<hbm>>
    %dma_wait3A_61 = arith.constant 0 : i32
    %dma_wait3A_62 = tpu.memref_slice %arg4[%mul3A_2, %dma_wait3A_61] : memref<819200x64xf32, #tpu.memory_space<hbm>> -> memref<640x64xf32, #tpu.memory_space<hbm>>
    tpu.wait_dma2 semaphore(%arg11 : memref<!tpu.dma_semaphore, #tpu.memory_space<semaphore_mem>>) src(%arg7 : memref<640x64xf32, #tpu.memory_space<vmem>>) dst(%dma_wait3A_62 : memref<640x64xf32, #tpu.memory_space<hbm>>)
    return
  }
}

</mosaic_0001>

<sc_bundles>
// kernel: _emb.3.cloned.1.call-start
scs
__scs_entry_jumppad:
0x0: {  	(pc) =	sbr.rel $0x88, $3  }
0x1: {  	(tag) =	ssettag $0x0;
	lr =	simm.s32 $0x1  }
0x2: {  	[smem:$0x3F9F] =	sst lr;
	_ =	strace $0xD0000000  }
0x3: {  	_ = 	snop  }
0x4: {  	_ = 	snop  }
0x5: {  	_ = 	snop  }
0x6: {  	_ = 	snop  }
0x7: {  	_ = 	snop  }
__scs_overlays_trampoline_lowered:
0x8: {  	[smem:$0x3FAE] =	sst s0  }
0x9: {  	[smem:$0x3FAF] =	sst s1  }
0xa: {  	[smem:$0x3FB0] =	sst s2  }
0xb: {  	[smem:$0x3FB1] =	sst s3  }
0xc: {  	[smem:$0x3FB2] =	sst s4  }
0xd: {  	[smem:$0x3FB3] =	sst s5  }
0xe: {  	[smem:$0x3FB4] =	sst s6  }
0xf: {  	[smem:$0x3FB5] =	sst s7  }
0x10: {  	[smem:$0x3FB6] =	sst s8  }
0x11: {  	[smem:$0x3FB7] =	sst s9;
	s0 =	simm.s32 @!p0 $0x0  }
0x12: {  	s1 =	sld [smem:$0x3F9D];
	s0 =	simm.s32 @p0 $0x1  }
0x13: {  	[smem:$0x3FB8] =	sst s0;
	s0 =	simm.s32 @!p1 $0x0  }
0x14: {  	s2 =	sld [smem:$0x3F9C];
	s0 =	simm.s32 @p1 $0x1  }
0x15: {  	[smem:$0x3FB9] =	sst s0;
	s0 =	simm.s32 @!p2 $0x0  }
0x16: {  	s3 =	sld [smem:$0x3FDB];
	s0 =	simm.s32 @p2 $0x1  }
0x17: {  	s4 =	simm.s32 $0x1BF5;
	[smem:$0x3FBB] =	sst s0  }
0x18: {  	s0 =	sld [smem:$0x3F9E];
	_ =	swait.ge [sflag:s4], $0x0  }
0x19: {  	s7 =	sld [smem:$0x3F9F]  }
0x1a: {  	s8 =	sadd.s32 $0xFFFFE003, lr  }
0x1b: {  	s9 =	sadd.s32 $0xFFFFFEF7, lr;
	s5 =	simm.s32 $0xFFFFFFFF;
	p2 =	slt.u32 s8, $0xFFFFF086  }
0x1c: {  	p1 =	slt.u32 s9, $0xF7A;
	s5 =	simm.s32 @!p2 $0x0  }
0x1d: {  	s5 =	simm.s32 @p1 $0x1;
	p0 =	seq.s32 s7, s2  }
0x1e: {  	s7 =	smul.u32 @!p0 $0xF7A, s2;
	p2 =	seq.s32 @!p0 s5, $0x0  }
0x1f: {  	s9 =	smul.u32 $0xF7A, s1;
	s8 =	simm.s32 @!p0 $0x1BF5;
	p2 =	por !p2, p0  }
0x20: {  	[sflag:s8] =	ssyncset.s32 @!p0 $0xFFFFF086;
	s6 =	sadd.s32 @!p0 s3, s7;
	s7 =	simm.s32 @!p0 $0x108  }
0x21: {  	s3 =	sadd.s32 s3, s9;
	s6 =	sadd.s32 @!p0 $0x88, s6;
	s7 =	simm.s32 @p2 $0x1082  }
0x22: {  	[simem:s7], [sflag:s8] =	dma.local @!p0 [hbm:s6], $0xF7A  }
0x23: {  	s9 =	sor.u32 $0xD0000000, s2;
	s6 =	simm.s32 $0x108;
	_ =	swait.ge @!p0 [sflag:s8], $0x0  }
0x24: {  	s3 =	sadd.s32 $0x88, s3;
	s6 =	simm.s32 @!p1 $0x1082;
	[sflag:s4] =	ssyncset.s32 $0xFFFFF086  }
0x25: {  	[simem:s6], [sflag:s4] =	dma.local [hbm:s3], $0xF7A  }
0x26: {  	[smem:$0x3F9F] =	sst s1;
	(tag) =	ssettag s2;
	_ =	strace s9  }
0x27: {  	s1 =	sld [smem:$0x3FAF]  }
0x28: {  	s2 =	sld [smem:$0x3FB0]  }
0x29: {  	s4 =	sld [smem:$0x3FB2]  }
0x2a: {  	p0 =	seq.s32 s5, $0x0;
	s5 =	sld [smem:$0x3FB3]  }
0x2b: {  	s6 =	sld [smem:$0x3FB4]  }
0x2c: {  	s7 =	sld [smem:$0x3FB5]  }
0x2d: {  	s3 =	simm.s32 $0x108;
	s8 =	sld [smem:$0x3FB6]  }
0x2e: {  	s3 =	simm.s32 @!p0 $0x1082;
	s9 =	sld [smem:$0x3FB7]  }
0x2f: {  	lr =	sadd.s32 s0, s3;
	s0 =	sld [smem:$0x3FAE]  }
0x30: {  	s3 =	sld [smem:$0x3FB1]  }
0x31: {  	[smem:$0x3FBA] =	sst s10  }
0x32: {  	s10 =	sld [smem:$0x3FB8];
	_ =	sdelay $0x3  }
0x33: {  	p0 =	seq.s32 s10, $0x1;
	s10 =	sld [smem:$0x3FBA];
	_ =	sdelay $0x3  }
0x34: {  	[smem:$0x3FBA] =	sst s10  }
0x35: {  	s10 =	sld [smem:$0x3FB9];
	_ =	sdelay $0x3  }
0x36: {  	p1 =	seq.s32 s10, $0x1;
	s10 =	sld [smem:$0x3FBA];
	_ =	sdelay $0x3  }
0x37: {  	[smem:$0x3FBA] =	sst s10  }
0x38: {  	s10 =	sld [smem:$0x3FBB]  }
0x39: {  	_ = 	snop;
	(pc) =	sbr.ind lr, $3  }
0x3a: {  	_ = 	snop  }
0x3b: {  	_ = 	snop  }
0x3c: {  	p2 =	seq.s32 s10, $0x1;
	s10 =	sld [smem:$0x3FBA]  }
0x3d: {  	_ =	shalt  }
0x3e: {  	_ =	shalt  }
0x3f: {  	_ =	shalt  }
0x40: {  	_ =	shalt  }
0x41: {  	_ =	shalt  }
0x42: {  	_ =	shalt  }
0x43: {  	_ =	shalt  }
0x44: {  	_ =	shalt  }
0x45: {  	_ =	shalt  }
0x46: {  	_ =	shalt  }
0x47: {  	_ =	shalt  }
0x48: {  	_ =	shalt  }
0x49: {  	_ =	shalt  }
0x4a: {  	_ =	shalt  }
0x4b: {  	_ =	shalt  }
0x4c: {  	_ =	shalt  }
0x4d: {  	_ =	shalt  }
0x4e: {  	_ =	shalt  }
0x4f: {  	_ =	shalt  }
0x50: {  	_ =	shalt  }
0x51: {  	_ =	shalt  }
0x52: {  	_ =	shalt  }
0x53: {  	_ =	shalt  }
0x54: {  	_ =	shalt  }
0x55: {  	_ =	shalt  }
0x56: {  	_ =	shalt  }
0x57: {  	_ =	shalt  }
0x58: {  	_ =	shalt  }
0x59: {  	_ =	shalt  }
0x5a: {  	_ =	shalt  }
0x5b: {  	_ =	shalt  }
0x5c: {  	_ =	shalt  }
0x5d: {  	_ =	shalt  }
0x5e: {  	_ =	shalt  }
0x5f: {  	_ =	shalt  }
0x60: {  	_ =	shalt  }
0x61: {  	_ =	shalt  }
0x62: {  	_ =	shalt  }
0x63: {  	_ =	shalt  }
0x64: {  	_ =	shalt  }
0x65: {  	_ =	shalt  }
0x66: {  	_ =	shalt  }
0x67: {  	_ =	shalt  }
0x68: {  	_ =	shalt  }
0x69: {  	_ =	shalt  }
0x6a: {  	_ =	shalt  }
0x6b: {  	_ =	shalt  }
0x6c: {  	_ =	shalt  }
0x6d: {  	_ =	shalt  }
0x6e: {  	_ =	shalt  }
0x6f: {  	_ =	shalt  }
0x70: {  	_ =	shalt  }
0x71: {  	_ =	shalt  }
0x72: {  	_ =	shalt  }
0x73: {  	_ =	shalt  }
0x74: {  	_ =	shalt  }
0x75: {  	_ =	shalt  }
0x76: {  	_ =	shalt  }
0x77: {  	_ =	shalt  }
0x78: {  	_ =	shalt  }
0x79: {  	_ =	shalt  }
0x7a: {  	_ =	shalt  }
0x7b: {  	_ =	shalt  }
0x7c: {  	_ =	shalt  }
0x7d: {  	_ =	shalt  }
0x7e: {  	_ =	shalt  }
0x7f: {  	_ =	shalt  }
0x80: {  	_ =	shalt  }
0x81: {  	_ =	shalt  }
0x82: {  	_ =	shalt  }
0x83: {  	_ =	shalt  }
0x84: {  	_ =	shalt  }
0x85: {  	_ =	shalt  }
0x86: {  	_ =	shalt  }
0x87: {  	_ =	shalt  }
.Lfunc_end0:
.L_simem_size_0:
called_computation.1_lowered:
.L_overlay_start_0:
0x88: {  	s2 =	sld [smem:$0x3FD9]  }
0x89: {  	s3 =	sld [smem:$0x3FFE];
	_ =	sdelay $0x1  }
0x8a: {  	s1 =	srdreg.scid  }
0x8b: {  	s0 =	sand.u32 $0x1, s1  }
0x8c: {  	s17 =	sshll.u32 s0, $0xA;
	s2 =	sadd.s32 s3, s2  }
0x8d: {  	s2 =	sadd.s32 s2, s17  }
0x8e: {  	[smem:$0x3FC6] =	sst s2  }
0x8f: {  	_ = 	snop  }
0x90: {  	s2 =	sld [smem:$0x3FC9]  }
0x91: {  	s18 =	sld [smem:$0x3FD0];
	(tm) =	ssettm $0x1  }
0x92: {  	s4 =	sld [smem:$0x3FFB];
	_ =	sdelay $0x3  }
0x93: {  	_ =	strace s4  }
0x94: {  	s4 =	sld [smem:$0x3FFC];
	_ =	sdelay $0x3  }
0x95: {  	_ =	strace s4  }
0x96: {  	s4 =	sld [smem:$0x3FFD];
	_ =	sdelay $0x3  }
0x97: {  	_ =	strace s4  }
0x98: {  	_ =	strace $0x8FFFFFFF  }
0x99: {  	s19 =	sld [smem:$0x3FDB];
	_ =	sdelay $0x1  }
0x9a: {  	s5 =	simm.s32 $_scs_section_size  }
0x9b: {  	s6 =	simm.s32 $_size__tile_overlayer_lowered;
	s7 =	simm.s32 $_tile_overlayer_lowered  }
0x9c: {  	s22 =	simm.s32 $0x1BFF;
	s21 =	sshll.u32 s7, $0x1;
	s4 =	sadd.s32 s5, s19  }
0x9d: {  	s8 =	simm.s32 $0x0;
	s20 =	sshll.u32 s6, $0x1;
	s6 =	sadd.s32 s21, s4  }
0x9e: {  	[timem:s8], [sflag:s22] =	dma.local [hbm:s6], s20  }
0x9f: {  	_ =	swait.ge [sflag:s22], s20  }
0xa0: {  	s5 =	ssub.s32 $0x0, s20;
	[sflag:s22] =	ssyncset.done $0x0  }
0xa1: {  	[sflag:s22] =	ssyncadd.s32 s5;
	_ =	sdelay $0x1  }
0xa2: {  	s23 =	simm.s32 $0x1B8B  }
0xa3: {  	_ =	swait.ge [sflag:s23], $0x1  }
0xa4: {  	[sflag:s23] =	ssyncset.done $0x0  }
0xa5: {  	s25 =	simm.s32 $0x1B8E;
	s24 =	sld [smem:$0x3FFE];
	[sflag:s23] =	ssyncadd.s32 $0xFFFFFFFF  }
0xa6: {  	s26 =	simm.s32 $execute0_lowered;
	[smem:$0x3FD2] =	sst s25  }
0xa7: {  	s6 =	sshll.u32 s26, $0x1;
	_ =	strace $0x80000046;
	[dreg:$0x1] =	wrdreg $0xFFFFFFFF  }
0xa8: {  	s28 =	simm.s32 $_size_execute0_lowered;
	s4 =	sadd.s32 s4, s6;
	[dreg:$0x0] =	wrdreg $0x0  }
0xa9: {  	s6 =	sshll.u32 s28, $0x1;
	[dreg:$0x2] =	wrdreg s4  }
0xaa: {  	[dreg:$0x3] =	wrdreg s6  }
0xab: {  	[dreg:$0x4] =	wrdreg $0xC0  }
0xac: {  	_ =	task [dreg:s8], $0x5FFFF  }
0xad: {  	[dreg:$0x1] =	wrdreg $0xFFFFFFFF  }
0xae: {  	[dreg:$0x0] =	wrdreg $0x60  }
0xaf: {  	[dreg:$0x2] =	wrdreg s2  }
0xb0: {  	[dreg:$0x3] =	wrdreg s24  }
0xb1: {  	[dreg:$0x4] =	wrdreg s18  }
0xb2: {  	[dreg:$0x5] =	wrdreg $0x9  }
0xb3: {  	_ =	task.clear_ibuf [dreg:s8], $0x6FFFF;
	_ =	strace $0x90000046  }
0xb4: {  	s29 =	simm.s32 $0x9;
	_ =	strace $0x80000048  }
0xb5: {  	_ =	swait.ge [sflag:s29], $0x1  }
0xb6: {  	[sflag:s29] =	ssyncadd.s32 $0xFFFFFFFF  }
0xb7: {  	_ =	strace $0x90000048  }
0xb8: {  	_ =	sfence  }
0xb9: {  	s30 =	sld [smem:$0x0];
	_ =	sdelay $0x2  }
0xba: {  	s31 =	sshll.u32 s1, $0xD;
	s1 =	sshrl.u32 s1, $0x2  }
0xbb: {  	s3 =	sand.u32 $0x4000, s31;
	s1 =	sadd.s32 s1, s30  }
0xbc: {  	s0 =	sor.u32 s3, s0;
	s1 =	sshll.u32 s1, $0x11  }
0xbd: {  	s0 =	sor.u32 s1, s0  }
0xbe: {  	s0 =	sadd.s32 $0x8F2B, s0  }
0xbf: {  	[sflag:s0] =	ssyncadd.remote.s32 $0x1  }
0xc0: {  	_ =	sfence.sel $0xFFFF  }
0xc1: {  	[dreg:$0x0] =	wrdreg $0xFFFFFFFF;
	(pc) =	sbr.abs _section_cstart, $3  }
0xc2: {  	[dreg:$0x1] =	wrdreg $0xFFFFFFFF  }
0xc3: {  	_ =	task.clear_ibuf [dreg:s8], $0x2FFFF;
	_ =	strace $0x9FFFFFFF  }
0xc4: {  	(tm) =	ssettm $0x7FFFFFFF  }
0xc5: {  	_ =	shalt  }
tec
execute0_lowered:
.L_overlay_start_1:
0x0: {  	(tag) =	ssettag $0x1  }
0x1: {  	s1 =	rddreg [dreg:$0x0];
	s2 =	srdreg.scid  }
0x2: {  	s0 =	stileid.u32;
	s5 =	rddreg [dreg:$0x1];
	s9 =	simm.s32 $0x80  }
0x3: {  	s10 =	simm.s32 $0x6400;
	s12 =	simm.s32 $0x100;
	s13 =	simm.s32 $0xA400  }
0x4: {  	s14 =	simm.s32 $0x180;
	s15 =	simm.s32 $0xC400;
	s16 =	simm.s32 $0x200  }
0x5: {  	s17 =	simm.s32 $0xE400;
	s18 =	simm.s32 $0x10400;
	s19 =	simm.s32 $0x12400  }
0x6: {  	s20 =	simm.s32 $0x14400;
	s21 =	simm.s32 $0x16400;
	s22 =	simm.s32 $0x18400  }
0x7: {  	s23 =	simm.s32 $0x1;
	s24 =	simm.s32 $0x2;
	s25 =	simm.s32 $0x3  }
0x8: {  	s26 =	simm.s32 $0x4;
	s6 =	sand.u32 $0x1, s2;
	s3 =	sshll.u32 s0, $0x1  }
0x9: {  	s28 =	simm.s32 $0x0;
	s2 =	rddreg [dreg:$0x2];
	s4 =	sor.u32 s6, s3  }
0xa: {  	s3 =	simm.s32 $0x0;
	s6 =	ssub.s32 $0x2, s6;
	s4 =	smul.u32 $0x6400, s4  }
0xb: {  	s5 =	sadd.s32 $0xF42C00, s5;
	[smem:$0x7FF] =	sst s3;
	s7 =	sshrl.u32 s6, $0x1  }
0xc: {  	_ =	strace $0x80000047;
	s7 =	ssub.s32 s6, s7;
	s8 =	sshrl.u32 s4, $0x3  }
0xd: {  	s7 =	smax.u32 s7, $0x1;
	s6 =	sadd.s32 s1, s8;
	s8 =	simm.s32 $0x5  }
.LBB2_1:
0xe: {  	[tilespmem:s3], [sflag:$0x5] =	stream.linear.gather [hbm4b:s6+s3], $0x6400, $0x38;
	[tilespmem:$0x1A400] =	vst v63  }
0xf: {  	_ =	swait.ge [sflag:s8], $0x6400  }
0x10: {  	[sflag:s8] =	ssyncset.done $0x0  }
0x11: {  	[sflag:s8] =	ssyncadd.s32 $0xFFFF9C00  }
0x12: {  	[tilespmem:s10], [sflag:$0x1] =	stream.indirect.gather [hbm4b:s5+s9], $0x40, s3, s9, $0xb8;
	[tilespmem:$0x1A400] =	vst v63  }
0x13: {  	s0 =	simm.s32 $0x8400  }
0x14: {  	[tilespmem:s0], [sflag:$0x1] =	stream.indirect.gather [hbm4b:s5+s9], $0x40, s9, s9, $0xb8;
	[tilespmem:$0x1A400] =	vst v63  }
0x15: {  	_ = 	snop  }
0x16: {  	[tilespmem:s13], [sflag:$0x1] =	stream.indirect.gather [hbm4b:s5+s9], $0x40, s12, s9, $0xb8;
	[tilespmem:$0x1A400] =	vst v63  }
0x17: {  	_ = 	snop  }
0x18: {  	[tilespmem:s15], [sflag:$0x1] =	stream.indirect.gather [hbm4b:s5+s9], $0x40, s14, s9, $0xb8;
	[tilespmem:$0x1A400] =	vst v63  }
0x19: {  	s29 =	simm.s32 $0x0  }
0x1a: {  	[tilespmem:s17], [sflag:$0x1] =	stream.indirect.gather [hbm4b:s5+s9], $0x40, s16, s9, $0xb8;
	[tilespmem:$0x1A400] =	vst v63  }
.LBB2_2:
0x1b: {  	p0 =	seq.s32 s29, $0x0  }
0x1c: {  	s30 =	sshllo.u32 s29, $0x1;
	s1 =	simm.s32 @!p0 $0x4  }
0x1d: {  	s31 =	smul.u32 $0xA00, s30;
	_ =	swait.ge @!p0 [sflag:s1], $0xA000  }
0x1e: {  	[sflag:s1] =	ssyncset.done @!p0 $0x0  }
0x1f: {  	s11 =	sshra.s32 s31, $0x2;
	[sflag:s1] =	ssyncadd.s32 @!p0 $0xFFFF6000  }
0x20: {  	[tilespmem:s18], [sflag:$0x2] =	stream.indirect.gather [hbm4b:s5+s9], $0x40, s11, s9, $0xb8;
	[tilespmem:$0x1A400] =	vst v63  }
0x21: {  	s31 =	sadd.s32 $0x80, s11  }
0x22: {  	[tilespmem:s19], [sflag:$0x2] =	stream.indirect.gather [hbm4b:s5+s9], $0x40, s31, s9, $0xb8;
	[tilespmem:$0x1A400] =	vst v63  }
0x23: {  	s31 =	sadd.s32 $0x100, s11  }
0x24: {  	[tilespmem:s20], [sflag:$0x2] =	stream.indirect.gather [hbm4b:s5+s9], $0x40, s31, s9, $0xb8;
	[tilespmem:$0x1A400] =	vst v63  }
0x25: {  	s31 =	sadd.s32 $0x180, s11  }
0x26: {  	[tilespmem:s21], [sflag:$0x2] =	stream.indirect.gather [hbm4b:s5+s9], $0x40, s31, s9, $0xb8;
	[tilespmem:$0x1A400] =	vst v63  }
0x27: {  	s1 =	sadd.s32 $0x200, s11  }
0x28: {  	[tilespmem:s22], [sflag:$0x2] =	stream.indirect.gather [hbm4b:s5+s9], $0x40, s1, s9, $0xb8;
	[tilespmem:$0x1A400] =	vst v63  }
0x29: {  	_ =	swait.ge [sflag:s23], $0x2000  }
0x2a: {  	[sflag:s23] =	ssyncset.done $0x0  }
0x2b: {  	[sflag:s23] =	ssyncadd.s32 $0xFFFFE000  }
0x2c: {  	_ =	swait.ge [sflag:s23], $0x2000  }
0x2d: {  	[sflag:s23] =	ssyncset.done $0x0  }
0x2e: {  	[sflag:s23] =	ssyncadd.s32 $0xFFFFE000  }
0x2f: {  	_ =	swait.ge [sflag:s23], $0x2000  }
0x30: {  	[sflag:s23] =	ssyncset.done $0x0  }
0x31: {  	[sflag:s23] =	ssyncadd.s32 $0xFFFFE000  }
0x32: {  	_ =	swait.ge [sflag:s23], $0x2000  }
0x33: {  	[sflag:s23] =	ssyncset.done $0x0  }
0x34: {  	[sflag:s23] =	ssyncadd.s32 $0xFFFFE000  }
0x35: {  	_ =	swait.ge [sflag:s23], $0x2000  }
0x36: {  	[sflag:s23] =	ssyncset.done $0x0  }
0x37: {  	s31 =	simm.s32 $0x0;
	[sflag:s23] =	ssyncadd.s32 $0xFFFFE000  }
0x38: {  	v1 =	vld [tilespmem:s31+$0x6400]  }
0x39: {  	v2 =	vld [tilespmem:s31+$0x6410]  }
0x3a: {  	s1 =	simm.s32 $0x100;
	v0 =	vld [tilespmem:s31+$0x6420]  }
.LBB2_3:
0x3b: {  	p0 =	sne.s32 s1, $0x27F00;
	v3 =	vld [tilespmem:s31+$0x6430];
	_ =	sdelay $0x1  }
0x3c: {  	v1 =	vmul.f32 $8.000000000e+00, v1  }
.Ltmp0:
0x3d: {  	v2 =	vmul.f32 $8.000000000e+00, v2;
	(pc) =	sbr.rel @p0 .LBB2_3-.Ltmp0, $4  }
0x3e: {  	s0 =	sshra.s32 s1, $0x2;
	[tilespmem:s31+$0x6400] =	vst v1;
	v0 =	vmul.f32 $8.000000000e+00, v0  }
0x3f: {  	v1 =	vld [tilespmem:s0+$0x6400];
	[tilespmem:s31+$0x6410] =	vst v2;
	v3 =	vmul.f32 $8.000000000e+00, v3  }
0x40: {  	v2 =	vld [tilespmem:s0+$0x6410];
	[tilespmem:s31+$0x6420] =	vst v0  }
0x41: {  	s1 =	sadd.s32 $0x100, s1;
	v0 =	vld [tilespmem:s0+$0x6420];
	[tilespmem:s31+$0x6430] =	vst v3;
	s31 =	smov.u32 s0  }
0x42: {  	v3 =	vld [tilespmem:s31+$0x6430];
	_ =	sdelay $0x1  }
0x43: {  	v1 =	vmul.f32 $8.000000000e+00, v1  }
0x44: {  	s0 =	smul.u32 $0x500, s29;
	v2 =	vmul.f32 $8.000000000e+00, v2  }
0x45: {  	[tilespmem:s31+$0x6400] =	vst v1;
	v0 =	vmul.f32 $8.000000000e+00, v0  }
0x46: {  	s0 =	sadd.s32 s4, s0;
	[tilespmem:s31+$0x6410] =	vst v2;
	v1 =	vmul.f32 $8.000000000e+00, v3  }
0x47: {  	s0 =	sshll.u32 s0, $0x3;
	[tilespmem:s31+$0x6420] =	vst v0  }
0x48: {  	p0 =	seq.s32 s29, $0x13;
	s0 =	sadd.s32 s2, s0;
	[tilespmem:s31+$0x6430] =	vst v1  }
0x49: {  	[hbm4b:s0+s3] =	stream.linear.scatter [tilespmem:s10], [sflag:$0x3], $0xA000, $0x38;
	[tilespmem:$0x1A400] =	vst v63  }
0x4a: {  	s0 =	simm.s32 @!p0 $0x3  }
0x4b: {  	s1 =	smul.u32 @!p0 $0x1400, s29;
	_ =	swait.ge @!p0 [sflag:s0], $0xA000  }
0x4c: {  	[sflag:s0] =	ssyncset.done @!p0 $0x0  }
0x4d: {  	[sflag:s0] =	ssyncadd.s32 @!p0 $0xFFFF6000;
	s0 =	sshra.s32 @!p0 s1, $0x2  }
0x4e: {  	s11 =	simm.s32 @!p0 $0x6400;
	s31 =	simm.s32 @!p0 $0x80;
	s1 =	sadd.s32 @!p0 $0x500, s0  }
0x4f: {  	[tilespmem:s11], [sflag:$0x1] =	stream.indirect.gather @!p0 [hbm4b:s5+s31], $0x40, s1, s31, $0xb8;
	[tilespmem:$0x1A400] =	vst v63  }
0x50: {  	s1 =	sadd.s32 @!p0 $0x580, s0;
	s11 =	simm.s32 @!p0 $0x8400  }
0x51: {  	[tilespmem:s11], [sflag:$0x1] =	stream.indirect.gather @!p0 [hbm4b:s5+s31], $0x40, s1, s31, $0xb8;
	[tilespmem:$0x1A400] =	vst v63  }
0x52: {  	s1 =	sadd.s32 @!p0 $0x600, s0;
	s11 =	simm.s32 @!p0 $0xA400  }
0x53: {  	[tilespmem:s11], [sflag:$0x1] =	stream.indirect.gather @!p0 [hbm4b:s5+s31], $0x40, s1, s31, $0xb8;
	[tilespmem:$0x1A400] =	vst v63  }
0x54: {  	s1 =	sadd.s32 @!p0 $0x680, s0;
	s11 =	simm.s32 @!p0 $0xC400  }
0x55: {  	[tilespmem:s11], [sflag:$0x1] =	stream.indirect.gather @!p0 [hbm4b:s5+s31], $0x40, s1, s31, $0xb8;
	[tilespmem:$0x1A400] =	vst v63  }
0x56: {  	s0 =	sadd.s32 @!p0 $0x700, s0;
	s1 =	simm.s32 @!p0 $0xE400  }
0x57: {  	[tilespmem:s1], [sflag:$0x1] =	stream.indirect.gather @!p0 [hbm4b:s5+s31], $0x40, s0, s31, $0xb8;
	[tilespmem:$0x1A400] =	vst v63  }
0x58: {  	_ =	swait.ge [sflag:s24], $0x2000  }
0x59: {  	[sflag:s24] =	ssyncset.done $0x0  }
0x5a: {  	[sflag:s24] =	ssyncadd.s32 $0xFFFFE000  }
0x5b: {  	_ =	swait.ge [sflag:s24], $0x2000  }
0x5c: {  	[sflag:s24] =	ssyncset.done $0x0  }
0x5d: {  	[sflag:s24] =	ssyncadd.s32 $0xFFFFE000  }
0x5e: {  	_ =	swait.ge [sflag:s24], $0x2000  }
0x5f: {  	[sflag:s24] =	ssyncset.done $0x0  }
0x60: {  	[sflag:s24] =	ssyncadd.s32 $0xFFFFE000  }
0x61: {  	_ =	swait.ge [sflag:s24], $0x2000  }
0x62: {  	[sflag:s24] =	ssyncset.done $0x0  }
0x63: {  	[sflag:s24] =	ssyncadd.s32 $0xFFFFE000  }
0x64: {  	_ =	swait.ge [sflag:s24], $0x2000  }
0x65: {  	[sflag:s24] =	ssyncset.done $0x0  }
0x66: {  	s31 =	simm.s32 $0x0;
	[sflag:s24] =	ssyncadd.s32 $0xFFFFE000  }
0x67: {  	v1 =	vld [tilespmem:s31+$0x10400]  }
0x68: {  	v2 =	vld [tilespmem:s31+$0x10410]  }
0x69: {  	s1 =	simm.s32 $0x100;
	v0 =	vld [tilespmem:s31+$0x10420]  }
.LBB2_5:
0x6a: {  	p0 =	sne.s32 s1, $0x27F00;
	v3 =	vld [tilespmem:s31+$0x10430];
	_ =	sdelay $0x1  }
0x6b: {  	v1 =	vmul.f32 $8.000000000e+00, v1  }
.Ltmp1:
0x6c: {  	v2 =	vmul.f32 $8.000000000e+00, v2;
	(pc) =	sbr.rel @p0 .LBB2_5-.Ltmp1, $4  }
0x6d: {  	s0 =	sshra.s32 s1, $0x2;
	[tilespmem:s31+$0x10400] =	vst v1;
	v0 =	vmul.f32 $8.000000000e+00, v0  }
0x6e: {  	v1 =	vld [tilespmem:s0+$0x10400];
	[tilespmem:s31+$0x10410] =	vst v2;
	v3 =	vmul.f32 $8.000000000e+00, v3  }
0x6f: {  	v2 =	vld [tilespmem:s0+$0x10410];
	[tilespmem:s31+$0x10420] =	vst v0  }
0x70: {  	s1 =	sadd.s32 $0x100, s1;
	v0 =	vld [tilespmem:s0+$0x10420];
	[tilespmem:s31+$0x10430] =	vst v3;
	s31 =	smov.u32 s0  }
0x71: {  	v3 =	vld [tilespmem:s31+$0x10430];
	_ =	sdelay $0x1  }
0x72: {  	s0 =	smul.u32 $0x280, s30;
	s29 =	sadd.s32 $0x1, s29;
	v1 =	vmul.f32 $8.000000000e+00, v1  }
0x73: {  	p0 =	sne.s32 s29, $0x14;
	v2 =	vmul.f32 $8.000000000e+00, v2  }
.Ltmp2:
0x74: {  	s0 =	sadd.s32 s4, s0;
	[tilespmem:s31+$0x10400] =	vst v1;
	v0 =	vmul.f32 $8.000000000e+00, v0;
	(pc) =	sbr.rel @p0 .LBB2_2-.Ltmp2, $4  }
0x75: {  	s0 =	sshll.u32 s0, $0x3;
	[tilespmem:s31+$0x10410] =	vst v2;
	v63 =	vmul.f32 $8.000000000e+00, v3  }
0x76: {  	s0 =	sand.u32 $0x1FFFFC00, s0;
	[tilespmem:s31+$0x10420] =	vst v0  }
0x77: {  	s0 =	sadd.s32 s2, s0;
	[tilespmem:s31+$0x10430] =	vst v63  }
0x78: {  	[hbm4b:s0+s3] =	stream.linear.scatter [tilespmem:s18], [sflag:$0x4], $0xA000, $0x38;
	[tilespmem:$0x1A400] =	vst v63  }
0x79: {  	s28 =	sadd.s32 $0x1, s28  }
0x7a: {  	_ =	swait.ge [sflag:s25], $0xA000;
	p0 =	sne.s32 s28, s7  }
.Ltmp3:
0x7b: {  	[sflag:s25] =	ssyncset.done $0x0;
	(pc) =	sbr.rel @p0 .LBB2_1-.Ltmp3, $4  }
0x7c: {  	[sflag:s25] =	ssyncadd.s32 $0xFFFF6000  }
0x7d: {  	_ =	swait.ge [sflag:s26], $0xA000  }
0x7e: {  	[sflag:s26] =	ssyncset.done $0x0  }
0x7f: {  	[sflag:s26] =	ssyncadd.s32 $0xFFFF6000  }
0x80: {  	_ =	sfence.sel $0x180000  }
0x81: {  	[bflag:$0x0] =	sbarrier.arrive $0xFFFF  }
0x82: {  	_ =	strace $0x90000047  }
0x83: {  	s0 =	stileid.u32;
	[bflag:$0x2] =	sbarrier.arrive $0xFFFF  }
0x84: {  	p0 =	sne.s32 s0, $0x0;
	s0 =	rddreg [dreg:$0x3]  }
0x85: {  	s0 =	sadd.s32 @!p0 $0x100000, s0  }
0x86: {  	[sflag:s0] =	ssyncadd.tile.s32 @!p0 $0x1;
	_ =	shalt  }
.Lfunc_end2:
_tile_overlayer_lowered:
.L_overlay_start_2:
0x87: {  	(tag) =	ssettag $0x2  }
0x88: {  	s0 =	rddreg [dreg:$0x0];
	s2 =	stileid.u32  }
0x89: {  	s1 =	rddreg [dreg:$0x1];
	p0 =	sne.s32 s2, $0x0  }
0x8a: {  	s3 =	rddreg [dreg:$0x2];
	[bflag:$0x3] =	sbarrier.arrive $0xFFFF;
	s2 =	simm.s32 @!p0 $0x1C05  }
0x8b: {  	[timem:s3], [sflag:s2] =	dma.local @!p0 [hbm:s0], s1  }
0x8c: {  	s0 =	simm.s32 @!p0 $0x5  }
0x8d: {  	_ =	swait.ge @!p0 [sflag:s0], s1  }
0x8e: {  	s1 =	ssub.s32 @!p0 $0x0, s1;
	[sflag:s0] =	ssyncset.done @!p0 $0x0  }
0x8f: {  	[sflag:s0] =	ssyncadd.s32 @!p0 s1  }
0x90: {  	[bflag:$0x3] =	sbarrier.arrive $0xFFFF  }
0x91: {  	_ =	shalt  }

// kernel: sparse-core-data-format-call.cloned.1.call-start
scs
called_computation_lowered:
.L_overlay_start_0:
0x0: {  	s2 =	sld [smem:$0x3FD9]  }
0x1: {  	s3 =	sld [smem:$0x3FFE];
	_ =	sdelay $0x1  }
0x2: {  	s1 =	srdreg.scid  }
0x3: {  	s0 =	sand.u32 $0x1, s1  }
0x4: {  	s18 =	sshll.u32 s0, $0xA;
	s2 =	sadd.s32 s3, s2  }
0x5: {  	s2 =	sadd.s32 s2, s18  }
0x6: {  	[smem:$0x3FC6] =	sst s2  }
0x7: {  	_ = 	snop  }
0x8: {  	s2 =	sld [smem:$0x3FD0];
	(tm) =	ssettm $0x1  }
0x9: {  	s19 =	sld [smem:$0x3FFB];
	_ =	sdelay $0x3  }
0xa: {  	_ =	strace s19  }
0xb: {  	s3 =	sld [smem:$0x3FFC];
	_ =	sdelay $0x3  }
0xc: {  	_ =	strace s3  }
0xd: {  	s3 =	sld [smem:$0x3FFD];
	_ =	sdelay $0x3  }
0xe: {  	_ =	strace s3  }
0xf: {  	_ =	strace $0x8FFFFFFF  }
0x10: {  	s20 =	sld [smem:$0x3FDB];
	_ =	sdelay $0x1  }
0x11: {  	s4 =	simm.s32 $_scs_section_size  }
0x12: {  	s5 =	simm.s32 $_size__tile_overlayer_lowered;
	s6 =	simm.s32 $_tile_overlayer_lowered  }
0x13: {  	s23 =	simm.s32 $0x1BFF;
	s22 =	sshll.u32 s6, $0x1;
	s3 =	sadd.s32 s4, s20  }
0x14: {  	s7 =	simm.s32 $0x0;
	s21 =	sshll.u32 s5, $0x1;
	s5 =	sadd.s32 s22, s3  }
0x15: {  	[timem:s7], [sflag:s23] =	dma.local [hbm:s5], s21  }
0x16: {  	_ =	swait.ge [sflag:s23], s21  }
0x17: {  	s4 =	ssub.s32 $0x0, s21;
	[sflag:s23] =	ssyncset.done $0x0  }
0x18: {  	[sflag:s23] =	ssyncadd.s32 s4;
	_ =	sdelay $0x1  }
0x19: {  	s24 =	simm.s32 $0x1B8B  }
0x1a: {  	_ =	swait.ge [sflag:s24], $0x1  }
0x1b: {  	[sflag:s24] =	ssyncset.done $0x0  }
0x1c: {  	s26 =	simm.s32 $0x1B8E;
	s25 =	sld [smem:$0x3FFE];
	[sflag:s24] =	ssyncadd.s32 $0xFFFFFFFF  }
0x1d: {  	s27 =	simm.s32 $execute0_lowered;
	[smem:$0x3FD2] =	sst s26  }
0x1e: {  	s5 =	sshll.u32 s27, $0x1;
	_ =	strace $0x80000049;
	[dreg:$0x1] =	wrdreg $0xFFFFFFFF  }
0x1f: {  	s28 =	simm.s32 $_size_execute0_lowered;
	s3 =	sadd.s32 s3, s5;
	[dreg:$0x0] =	wrdreg $0x0  }
0x20: {  	s5 =	sshll.u32 s28, $0x1;
	[dreg:$0x2] =	wrdreg s3  }
0x21: {  	[dreg:$0x3] =	wrdreg s5  }
0x22: {  	[dreg:$0x4] =	wrdreg $0xC0  }
0x23: {  	_ =	task [dreg:s7], $0x5FFFF  }
0x24: {  	[dreg:$0x1] =	wrdreg $0xFFFFFFFF  }
0x25: {  	[dreg:$0x0] =	wrdreg $0x60  }
0x26: {  	[dreg:$0x2] =	wrdreg s25  }
0x27: {  	[dreg:$0x3] =	wrdreg s2  }
0x28: {  	[dreg:$0x4] =	wrdreg $0x9  }
0x29: {  	_ =	task.clear_ibuf [dreg:s7], $0x5FFFF;
	_ =	strace $0x90000049  }
0x2a: {  	s29 =	simm.s32 $0x9;
	_ =	strace $0x8000004B  }
0x2b: {  	_ =	swait.ge [sflag:s29], $0x1  }
0x2c: {  	[sflag:s29] =	ssyncadd.s32 $0xFFFFFFFF  }
0x2d: {  	_ =	strace $0x9000004B  }
0x2e: {  	_ =	sfence  }
0x2f: {  	s30 =	sld [smem:$0x0];
	_ =	sdelay $0x2  }
0x30: {  	s31 =	sshll.u32 s1, $0xD;
	s1 =	sshrl.u32 s1, $0x2  }
0x31: {  	s3 =	sand.u32 $0x4000, s31;
	s1 =	sadd.s32 s1, s30  }
0x32: {  	s0 =	sor.u32 s3, s0;
	s1 =	sshll.u32 s1, $0x11  }
0x33: {  	s0 =	sor.u32 s1, s0  }
0x34: {  	s0 =	sadd.s32 $0x8F2B, s0  }
0x35: {  	[sflag:s0] =	ssyncadd.remote.s32 $0x1  }
0x36: {  	_ =	sfence.sel $0xFFFF  }
0x37: {  	[dreg:$0x0] =	wrdreg $0xFFFFFFFF;
	(pc) =	sbr.abs _section_cstart, $3  }
0x38: {  	[dreg:$0x1] =	wrdreg $0xFFFFFFFF  }
0x39: {  	_ =	task.clear_ibuf [dreg:s7], $0x2FFFF;
	_ =	strace $0x9FFFFFFF  }
0x3a: {  	(tm) =	ssettm $0x7FFFFFFF  }
0x3b: {  	_ =	shalt  }
tec
execute0_lowered:
.L_overlay_start_1:
0x0: {  	(tag) =	ssettag $0x1  }
0x1: {  	s0 =	srdreg.scid  }
0x2: {  	s1 =	sshll.u32 s0, $0x4  }
0x3: {  	s4 =	rddreg [dreg:$0x0];
	s0 =	stileid.u32;
	s1 =	sand.u32 $0x10, s1  }
0x4: {  	s2 =	rddreg [dreg:$0x1];
	s7 =	simm.s32 $0x1;
	s1 =	sor.u32 s0, s1  }
0x5: {  	s8 =	simm.s32 $0x2;
	s11 =	simm.s32 $0x0;
	s3 =	sshll.u32 s1, $0x7  }
0x6: {  	s10 =	simm.s32 $0x0;
	s4 =	sadd.s32 $0x800, s4;
	s6 =	ssub.s32 $0xC8000, s3  }
.Ltmp0:
0x7: {  	s1 =	rddreg [dreg:$0x2];
	s5 =	sand.u32 $0xF80, s6;
	(pc) =	sbr.rel .LBB1_1-.Ltmp0, $4  }
0x8: {  	_ =	strace $0x8000004A;
	s9 =	smov.u32 s3;
	p0 =	sne.s32 s5, $0x0  }
0x9: {  	s6 =	sshrl.u32 s6, $0xC;
	s5 =	simm.s32 $0x1;
	s7 =	simm.s32 @!p0 $0x0  }
0xa: {  	[sflag:s5] =	ssyncpa.u1 $0x0;
	p0 =	por $0x0, $0x0;
	s6 =	sadd.s32 s7, s6  }
0xb: {  	[sflag:s8] =	ssyncpa.u1 $0x0;
	s8 =	simm.s32 $0x640000;
	s7 =	sadd.s32 $0x1, s6  }
.LBB1_4:
0xc: {  	s14 =	sshll.u32 s11, $0x3  }
0xd: {  	s30 =	sand.u32 $0x7F, s11;
	s15 =	sand.u32 $0xFFFFFC00, s14  }
0xe: {  	s11 =	sor.u32 s30, s15  }
0xf: {  	s15 =	smulhi.u32 $0x51EB851F, s11  }
0x10: {  	s14 =	smulhi.u32 $0x51EB851F, s14  }
0x11: {  	s15 =	sshrl.u32 s15, $0x12  }
0x12: {  	s14 =	sshrl.u32 s14, $0x12;
	s15 =	smul.u32 $0xC8000, s15  }
0x13: {  	s14 =	sand.u32 $0x3F, s14  }
0x14: {  	s14 =	smul.u32 $0x19000, s14;
	s11 =	ssub.s32 s11, s15  }
0x15: {  	[tilespmem:s13+$0x810 ss:$0x81] =	vst.msk $0xffff, v2;
	s15 =	sand.u32 $0x7, s11  }
0x16: {  	[tilespmem:s13+$0x1020 ss:$0x81] =	vst.msk $0xffff, v0;
	s14 =	sadd.s32 s2, s14;
	s11 =	sshrl.u32 s11, $0x3;
	s15 =	sshll.u32 s15, $0x12  }
0x17: {  	[tilespmem:s13+$0x0 ss:$0x81] =	vst.msk $0xffff, v1;
	s11 =	sadd.s32 s11, s14;
	s31 =	sor.u32 $0x400, s15  }
0x18: {  	[hbm4b:s11+s31] =	stream.strided.scatter [tilespmem:s12], [sflag:$0x2], $0x2000, s8, s31, $0x20;
	[tilespmem:$0x8080] =	vst v63  }
.LBB1_5:
0x19: {  	s13 =	sadd.s32 $0x1000, s9  }
0x1a: {  	p2 =	sgt.s32 s13, $0xC7FFF  }
0x1b: {  	s13 =	smov.u32 @p2 s3;
	p2 =	sne.s32 s10, s7  }
.Ltmp1:
0x1c: {  	p1 =	slt.u32 s10, $0x2;
	(pc) =	sbr.rel @!p2 .LBB1_6-.Ltmp1, $4  }
0x1d: {  	s12 =	simm.s32 @!p1 $0x2  }
0x1e: {  	s14 =	sadd.s32 $0x1, s10;
	_ =	swait.ge @!p1 [sflag:s12], $0x2000  }
0x1f: {  	s11 =	smov.u32 s9;
	p0 =	por !p0, !p0;
	[sflag:s12] =	ssyncset.done @!p1 $0x0  }
0x20: {  	s10 =	smov.u32 s14;
	s9 =	smov.u32 s13;
	[sflag:s12] =	ssyncadd.s32 @!p1 $0xFFFFE000  }
.LBB1_1:
0x21: {  	p1 =	sge.u32 s10, s6  }
0x22: {  	s12 =	sand.u32 @!p1 $0x1FFFFFF, s9  }
0x23: {  	s13 =	smulhi.u32 @!p1 $0x147AE15, s12;
	_ =	sdelay $0x1  }
0x24: {  	s13 =	sshrl.u32 @!p1 s13, $0xC  }
0x25: {  	s13 =	smul.u32 @!p1 $0xC8000, s13;
	_ =	sdelay $0x1  }
0x26: {  	s31 =	sadd.s32 $0xFFFFFFFF, s10;
	s14 =	sxor.u32 @!p1 $0xFFFFFFFF, s10;
	s12 =	ssub.s32 @!p1 s12, s13  }
0x27: {  	s15 =	simm.s32 @!p1 $0x80;
	s14 =	sshll.u32 @!p1 s14, $0xD;
	s12 =	sshll.u32 @!p1 s12, $0x4  }
0x28: {  	s13 =	sand.u32 @!p1 $0x2000, s14;
	s14 =	simm.s32 @!p1 $0x40;
	s12 =	sadd.s32 @!p1 s4, s12  }
0x29: {  	[tilespmem:s13], [sflag:$0x1] =	stream.strided.gather @!p1 [hbm4b:s12+s14], $0x2000, s15, s14, $0x38;
	[tilespmem:$0x8080] =	vst v63  }
0x2a: {  	p1 =	sge.u32 s31, s6  }
.Ltmp2:
0x2b: {  	_ = 	snop;
	(pc) =	sbr.rel @p1 .LBB1_5-.Ltmp2, $1  }
0x2c: {  	_ =	sdelay $0x3  }
0x2d: {  	s12 =	simm.s32 $0x1  }
0x2e: {  	_ =	swait.ge [sflag:s5], $0x2000;
	s12 =	simm.s32 @!p0 $0x0  }
0x2f: {  	[sflag:s5] =	ssyncset.done $0x0;
	s13 =	sshll.u32 s12, $0xD  }
0x30: {  	[sflag:s5] =	ssyncadd.s32 $0xFFFFE000;
	s16 =	sor.u32 $0x20, s13  }
0x31: {  	s12 =	smul.u32 $0x8100, s12;
	v3 =	vld [tilespmem:s16+$0x10]  }
0x32: {  	s30 =	sand.u32 $0x1, s10;
	v2 =	vld [tilespmem:s16+$0xFFFFFFF0]  }
0x33: {  	s13 =	smul.u32 $0x8100, s30;
	s12 =	sshrl.u32 s12, $0x2;
	v0 =	vld [tilespmem:s16+$0x0]  }
0x34: {  	v1 =	vld [tilespmem:s16+$0xFFFFFFE0];
	s14 =	sor.u32 $0x4000, s12  }
0x35: {  	s31 =	sshrl.u32 s13, $0x2;
	s13 =	sadd.s32 $0x0, s14  }
0x36: {  	s15 =	simm.s32 $0x4;
	s16 =	sadd.s32 $0x40, s16;
	s12 =	sor.u32 $0x4000, s31;
	[tilespmem:s13+$0x1830 ss:$0x81] =	vst.msk $0xffff, v3  }
.LBB1_3:
0x37: {  	v3 =	vld [tilespmem:s16+$0x10];
	p1 =	sne.s32 s15, $0x1FC;
	[tilespmem:s13+$0x810 ss:$0x81] =	vst.msk $0xffff, v2;
	s17 =	smov.u32 s15;
	s15 =	sadd.s32 $0x4, s15  }
.Ltmp3:
0x38: {  	v2 =	vld [tilespmem:s16+$0xFFFFFFF0];
	[tilespmem:s13+$0x1020 ss:$0x81] =	vst.msk $0xffff, v0;
	(pc) =	sbr.rel @p1 .LBB1_3-.Ltmp3, $4  }
0x39: {  	v0 =	vld [tilespmem:s16+$0x0];
	[tilespmem:s13+$0x0 ss:$0x81] =	vst.msk $0xffff, v1  }
0x3a: {  	s13 =	sshra.s32 s17, $0x2;
	v1 =	vld [tilespmem:s16+$0xFFFFFFE0]  }
0x3b: {  	s13 =	sadd.s32 s13, s14  }
0x3c: {  	s16 =	sadd.s32 $0x40, s16;
	[tilespmem:s13+$0x1830 ss:$0x81] =	vst.msk $0xffff, v3  }
.Ltmp4:
0x3d: {  	_ = 	snop;
	(pc) =	sbr.rel .LBB1_4-.Ltmp4, $1  }
0x3e: {  	_ =	sdelay $0x3  }
.LBB1_6:
0x3f: {  	_ =	sfence.sel $0x180000  }
0x40: {  	s2 =	simm.s32 $0x1;
	[bflag:$0x0] =	sbarrier.arrive $0xFFFF  }
0x41: {  	s31 =	simm.s32 $0x2;
	[sflag:s2] =	ssyncpa.u1 $0x1  }
0x42: {  	[sflag:s31] =	ssyncpa.u1 $0x1  }
0x43: {  	p0 =	sne.s32 s0, $0x0;
	_ =	strace $0x9000004A  }
0x44: {  	s0 =	sadd.s32 @!p0 $0x100000, s1;
	[bflag:$0x2] =	sbarrier.arrive $0xFFFF  }
0x45: {  	[sflag:s0] =	ssyncadd.tile.s32 @!p0 $0x1;
	_ =	shalt  }
.Lfunc_end1:
_tile_overlayer_lowered:
.L_overlay_start_2:
0x46: {  	(tag) =	ssettag $0x2  }
0x47: {  	s0 =	rddreg [dreg:$0x0];
	s2 =	stileid.u32  }
0x48: {  	s1 =	rddreg [dreg:$0x1];
	p0 =	sne.s32 s2, $0x0  }
0x49: {  	s3 =	rddreg [dreg:$0x2];
	[bflag:$0x3] =	sbarrier.arrive $0xFFFF;
	s2 =	simm.s32 @!p0 $0x1C01  }
0x4a: {  	[timem:s3], [sflag:s2] =	dma.local @!p0 [hbm:s0], s1  }
0x4b: {  	s0 =	simm.s32 @!p0 $0x1  }
0x4c: {  	_ =	swait.ge @!p0 [sflag:s0], s1  }
0x4d: {  	s1 =	ssub.s32 @!p0 $0x0, s1;
	[sflag:s0] =	ssyncset.done @!p0 $0x0  }
0x4e: {  	[sflag:s0] =	ssyncadd.s32 @!p0 s1  }
0x4f: {  	[bflag:$0x3] =	sbarrier.arrive $0xFFFF  }
0x50: {  	_ =	shalt  }

</sc_bundles>
